<compile_context>
chip_gen: v7x
topology: tpu7x:2x2x1
jax: 0.10.2.dev20260603
libtpu: 0.0.44.dev20260713+nightly
codegen_flags: <defaults>
</compile_context>

<pallas_src>
import functools

import jax
import jax.numpy as jnp
from jax import lax
from jax.experimental import pallas as pl
from jax.experimental.pallas import tpu as pltpu
from jax.experimental.pallas import tpu_sc as plsc

_NUM_FIELDS = 26
_VOCAB = 100000
_EMBED_DIM = 32
_BATCH = 16384
_Q = _BATCH // 4
_NW = 32
_TASKS_PER_W = _NUM_FIELDS * _EMBED_DIM // _NW


@functools.cache
def _make_gather():
    mesh = plsc.VectorSubcoreMesh(core_axis_name="c", subcore_axis_name="s")

    @functools.partial(
        pl.kernel,
        mesh=mesh,
        out_type=jax.ShapeDtypeStruct((_NUM_FIELDS, _EMBED_DIM, _BATCH),
                                      jnp.float32),
        scratch_types=[
            pltpu.VMEM((_VOCAB,), jnp.float32),
            pltpu.VMEM((_BATCH,), jnp.int32),
            pltpu.VMEM((_Q,), jnp.float32),
            pltpu.VMEM((_Q,), jnp.float32),
            pltpu.SemaphoreType.DMA,
            pltpu.SemaphoreType.DMA,
            pltpu.SemaphoreType.DMA,
        ],
        compiler_params=pltpu.CompilerParams(use_tc_tiling_on_sc=True,
                                             needs_layout_passes=False),
    )
    def gather_kernel(xt_hbm, tt_hbm, out_hbm, plane_v, xf_v, out_v0, out_v1,
                      psem, osem0, osem1):
        wid = lax.axis_index("s") * 2 + lax.axis_index("c")
        t0 = wid * _TASKS_PER_W
        outs = (out_v0, out_v1)
        osems = (osem0, osem1)

        def task_body(t, prev_f):
            f = lax.shift_right_logical(t, 5)
            d = jnp.bitwise_and(t, 31)
            plane_cp = pltpu.async_copy(tt_hbm.at[f, d], plane_v, psem)

            @pl.when(f != prev_f)
            def _load_indices():
                pltpu.sync_copy(xt_hbm.at[f], xf_v)

            plane_cp.wait()
            for q in range(4):
                ov = outs[q & 1]
                osem = osems[q & 1]
                if q >= 2:
                    pltpu.make_async_copy(
                        ov, out_hbm.at[f, d, pl.ds((q - 2) * _Q, _Q)], osem
                    ).wait()
                else:
                    @pl.when(t > t0)
                    def _drain_prev_task():
                        pltpu.make_async_copy(
                            ov, out_hbm.at[f, d, pl.ds(q * _Q, _Q)], osem
                        ).wait()

                @plsc.parallel_loop(0, _Q, step=16, unroll=16)
                def g_body(b):
                    ov[pl.ds(b, 16)] = plsc.load_gather(
                        plane_v, [xf_v[pl.ds(q * _Q + b, 16)]])

                pltpu.async_copy(ov, out_hbm.at[f, d, pl.ds(q * _Q, _Q)], osem)
            return f

        lax.fori_loop(t0, t0 + _TASKS_PER_W, task_body, jnp.int32(-1))

        t_last = t0 + _TASKS_PER_W - 1
        f_last = lax.shift_right_logical(t_last, 5)
        d_last = jnp.bitwise_and(t_last, 31)
        for q in (2, 3):
            pltpu.make_async_copy(
                outs[q & 1], out_hbm.at[f_last, d_last, pl.ds(q * _Q, _Q)],
                osems[q & 1]
            ).wait()

    return gather_kernel


def kernel(x, tables):
    out = _make_gather()(x.T, jnp.transpose(tables, (0, 2, 1)))
    return jnp.transpose(out, (0, 2, 1))

# --- scband reference (transcript-rebuilt; emitter-appended) ---
"""Pipeline reference for scband-py-torch-categorical-transformer-19129784336661 (READ-ONLY COPY).

The authoritative reference and input builder live on the scoring server;
editing this copy changes nothing except your own understanding.
"""

import jax, jax.numpy as jnp
import numpy as np

NUM_FIELDS = 26
VOCAB = 100000
EMBED_DIM = 32
BATCH = 16384


def setup_inputs(seed: int = 0) -> dict:
    key = jax.random.key(seed)
    kx, kt = jax.random.split(key)
    x = jax.random.randint(kx, (BATCH, NUM_FIELDS), 0, VOCAB, dtype=jnp.int32)
    # One embedding table per categorical field, stacked: [26, 100000, 32].
    tables = jax.random.normal(kt, (NUM_FIELDS, VOCAB, EMBED_DIM), dtype=jnp.float32) * 0.02
    # padding_idx=0 -> row 0 is zeros in every table
    tables = tables.at[:, 0, :].set(0.0)
    return {"x": x, "tables": tables}


def reference(x, tables):
    # Faithful to PyTorchCategoricalTransformer.forward with dropout=0 (Identity):
    # for each field i, embedded_i = embeddings[f_i](x[..., i]) with padding_idx=0.
    # The torch module returns a dict {col_name: [B, 32]}; since all embed dims
    # are equal we return the stacked equivalent: [26, B, 32] in column-index order.
    t = tables.at[:, 0, :].set(0.0)  # enforce padding row = 0
    outs = [jnp.take(t[i], x[:, i], axis=0) for i in range(NUM_FIELDS)]
    return jnp.stack(outs, axis=0)

if __name__ == "__main__":
    import jax
    _d = setup_inputs()
    print(jax.jit(kernel)(*tuple(_d.values())))

</pallas_src>

<mosaic_0001>
#map = affine_map<(d0, d1) -> (0, 0)>
#map1 = affine_map<(d0, d1) -> (0, 0, 0)>
module attributes {stable_mosaic.version = 14 : i64} {
  func.func @gather_kernel(%arg0: i32, %arg1: i32, %arg2: memref<26x16384xi32, #tpu.memory_space<hbm>>, %arg3: memref<26x32x100000xf32, #tpu.memory_space<hbm>>, %arg4: memref<26x32x16384xf32, #tpu.memory_space<hbm>>, %arg5: memref<100000xf32, #tpu.memory_space<vmem>>, %arg6: memref<16384xi32, #tpu.memory_space<vmem>>, %arg7: memref<4096xf32, #tpu.memory_space<vmem>>, %arg8: memref<4096xf32, #tpu.memory_space<vmem>>, %arg9: memref<!tpu.dma_semaphore, #tpu.memory_space<semaphore_mem>>, %arg10: memref<!tpu.dma_semaphore, #tpu.memory_space<semaphore_mem>>, %arg11: memref<!tpu.dma_semaphore, #tpu.memory_space<semaphore_mem>>) attributes {dimension_semantics = [#tpu.dimension_semantics<core_parallel>, #tpu.dimension_semantics<subcore_parallel>], iteration_bounds = array<i64: 2, 16>, scalar_prefetch = 0 : i64, scratch_operands = 7 : i64, tpu.core_type = #tpu.core_type<sc_vector_subcore>, window_params = [{transform_indices = #map}, {transform_indices = #map1}, {transform_indices = #map1}]} {
    %mul3A = arith.constant 2 : i32
    %mul3A_0 = arith.muli %arg1, %mul3A : i32
    %add3A = arith.addi %mul3A_0, %arg0 : i32
    %mul3A_1 = arith.constant 26 : i32
    %mul3A_2 = arith.muli %add3A, %mul3A_1 : i32
    %add3A_3 = arith.constant 26 : i32
    %add3A_4 = arith.addi %mul3A_2, %add3A_3 : i32
    %while3A = arith.constant -1 : i32
    %while3A_5 = arith.subi %add3A_4, %mul3A_2 : i32
    %while3A_6 = arith.addi %mul3A_2, %while3A_5 : i32
    %while3A_7 = arith.constant 1 : i32
    %while3A_8 = arith.divsi %while3A_5, %while3A_7 : i32
    %while3A_9 = arith.muli %while3A_8, %while3A_7 : i32
    %while3A_10 = arith.addi %mul3A_2, %while3A_9 : i32
    %while3A_11 = arith.constant 1 : i32
    %while3A_12 = scf.for %while3A_31 = %mul3A_2 to %while3A_10 step %while3A_11 iter_args(%while3A_32 = %while3A) -> (i32)  : i32 {
      %shift_right_logical3A_33 = arith.constant 5 : i32
      %shift_right_logical3A_34 = arith.shrui %while3A_31, %shift_right_logical3A_33 : i32
      %and3A_35 = arith.constant 31 : i32
      %and3A_36 = arith.andi %while3A_31, %and3A_35 : i32
      %dma_start3A = arith.constant 0 : i32
      %dma_start3A_37 = tpu.memref_slice %arg3[%shift_right_logical3A_34, %and3A_36, %dma_start3A] : memref<26x32x100000xf32, #tpu.memory_space<hbm>> -> memref<1x1x100000xf32, #tpu.memory_space<hbm>>
      %dma_start3A_38 = tpu.memref_squeeze %dma_start3A_37 : memref<1x1x100000xf32, #tpu.memory_space<hbm>> -> memref<100000xf32, #tpu.memory_space<hbm>>
      %dma_start3A_39 = arith.constant 0 : i32
      %dma_start3A_40 = tpu.memref_slice %arg3[%shift_right_logical3A_34, %and3A_36, %dma_start3A_39] : memref<26x32x100000xf32, #tpu.memory_space<hbm>> -> memref<1x1x100000xf32, #tpu.memory_space<hbm>>
      %dma_start3A_41 = tpu.memref_squeeze %dma_start3A_40 : memref<1x1x100000xf32, #tpu.memory_space<hbm>> -> memref<100000xf32, #tpu.memory_space<hbm>>
      tpu.enqueue_dma source(%dma_start3A_41 : memref<100000xf32, #tpu.memory_space<hbm>>) target(%arg5 : memref<100000xf32, #tpu.memory_space<vmem>>) target_semaphore(%arg9 : memref<!tpu.dma_semaphore, #tpu.memory_space<semaphore_mem>>)
      %ne3A = arith.cmpi ne, %shift_right_logical3A_34, %while3A_32 : i32
      %convert_element_type3A = arith.extui %ne3A : i1 to i32
      %cond3A = arith.constant 0 : i32
      %cond3A_42 = arith.cmpi ne, %convert_element_type3A, %cond3A : i32
      scf.if %cond3A_42 {
        "tpu.region"() ({
          %run_scoped3A = tpu.sem_alloc : memref<!tpu.dma_semaphore, #tpu.memory_space<semaphore_mem>>
          %dma_start3A_103 = arith.constant 0 : i32
          %dma_start3A_104 = tpu.memref_slice %arg2[%shift_right_logical3A_34, %dma_start3A_103] : memref<26x16384xi32, #tpu.memory_space<hbm>> -> memref<1x16384xi32, #tpu.memory_space<hbm>>
          %dma_start3A_105 = tpu.memref_squeeze %dma_start3A_104 : memref<1x16384xi32, #tpu.memory_space<hbm>> -> memref<16384xi32, #tpu.memory_space<hbm>>
          %dma_start3A_106 = arith.constant 0 : i32
          %dma_start3A_107 = tpu.memref_slice %arg2[%shift_right_logical3A_34, %dma_start3A_106] : memref<26x16384xi32, #tpu.memory_space<hbm>> -> memref<1x16384xi32, #tpu.memory_space<hbm>>
          %dma_start3A_108 = tpu.memref_squeeze %dma_start3A_107 : memref<1x16384xi32, #tpu.memory_space<hbm>> -> memref<16384xi32, #tpu.memory_space<hbm>>
          tpu.enqueue_dma source(%dma_start3A_108 : memref<16384xi32, #tpu.memory_space<hbm>>) target(%arg6 : memref<16384xi32, #tpu.memory_space<vmem>>) target_semaphore(%run_scoped3A : memref<!tpu.dma_semaphore, #tpu.memory_space<semaphore_mem>>)
          %dma_wait3A_109 = arith.constant 0 : i32
          %dma_wait3A_110 = tpu.memref_slice %arg2[%shift_right_logical3A_34, %dma_wait3A_109] : memref<26x16384xi32, #tpu.memory_space<hbm>> -> memref<1x16384xi32, #tpu.memory_space<hbm>>
          %dma_wait3A_111 = tpu.memref_squeeze %dma_wait3A_110 : memref<1x16384xi32, #tpu.memory_space<hbm>> -> memref<16384xi32, #tpu.memory_space<hbm>>
          %dma_wait3A_112 = arith.constant 0 : i32
          %dma_wait3A_113 = tpu.memref_slice %arg2[%shift_right_logical3A_34, %dma_wait3A_112] : memref<26x16384xi32, #tpu.memory_space<hbm>> -> memref<1x16384xi32, #tpu.memory_space<hbm>>
          %dma_wait3A_114 = tpu.memref_squeeze %dma_wait3A_113 : memref<1x16384xi32, #tpu.memory_space<hbm>> -> memref<16384xi32, #tpu.memory_space<hbm>>
          tpu.wait_dma2 semaphore(%run_scoped3A : memref<!tpu.dma_semaphore, #tpu.memory_space<semaphore_mem>>) src(%dma_wait3A_114 : memref<16384xi32, #tpu.memory_space<hbm>>) dst(%arg6 : memref<16384xi32, #tpu.memory_space<vmem>>)
          tpu.yield
        }) : () -> ()
      } else {
      }
      %dma_wait3A_43 = arith.constant 0 : i32
      %dma_wait3A_44 = tpu.memref_slice %arg3[%shift_right_logical3A_34, %and3A_36, %dma_wait3A_43] : memref<26x32x100000xf32, #tpu.memory_space<hbm>> -> memref<1x1x100000xf32, #tpu.memory_space<hbm>>
      %dma_wait3A_45 = tpu.memref_squeeze %dma_wait3A_44 : memref<1x1x100000xf32, #tpu.memory_space<hbm>> -> memref<100000xf32, #tpu.memory_space<hbm>>
      %dma_wait3A_46 = arith.constant 0 : i32
      %dma_wait3A_47 = tpu.memref_slice %arg3[%shift_right_logical3A_34, %and3A_36, %dma_wait3A_46] : memref<26x32x100000xf32, #tpu.memory_space<hbm>> -> memref<1x1x100000xf32, #tpu.memory_space<hbm>>
      %dma_wait3A_48 = tpu.memref_squeeze %dma_wait3A_47 : memref<1x1x100000xf32, #tpu.memory_space<hbm>> -> memref<100000xf32, #tpu.memory_space<hbm>>
      tpu.wait_dma2 semaphore(%arg9 : memref<!tpu.dma_semaphore, #tpu.memory_space<semaphore_mem>>) src(%dma_wait3A_48 : memref<100000xf32, #tpu.memory_space<hbm>>) dst(%arg5 : memref<100000xf32, #tpu.memory_space<vmem>>)
      %gt3A = arith.cmpi sgt, %while3A_31, %mul3A_2 : i32
      %convert_element_type3A_49 = arith.extui %gt3A : i1 to i32
      %cond3A_50 = arith.constant 0 : i32
      %cond3A_51 = arith.cmpi ne, %convert_element_type3A_49, %cond3A_50 : i32
      scf.if %cond3A_51 {
        %dma_wait3A_103 = arith.constant 0 : i32
        %dma_wait3A_104 = tpu.memref_slice %arg4[%shift_right_logical3A_34, %and3A_36, %dma_wait3A_103] : memref<26x32x16384xf32, #tpu.memory_space<hbm>> -> memref<1x1x4096xf32, #tpu.memory_space<hbm>>
        %dma_wait3A_105 = tpu.memref_squeeze %dma_wait3A_104 : memref<1x1x4096xf32, #tpu.memory_space<hbm>> -> memref<4096xf32, #tpu.memory_space<hbm>>
        %dma_wait3A_106 = arith.constant 0 : i32
        %dma_wait3A_107 = tpu.memref_slice %arg4[%shift_right_logical3A_34, %and3A_36, %dma_wait3A_106] : memref<26x32x16384xf32, #tpu.memory_space<hbm>> -> memref<1x1x4096xf32, #tpu.memory_space<hbm>>
        %dma_wait3A_108 = tpu.memref_squeeze %dma_wait3A_107 : memref<1x1x4096xf32, #tpu.memory_space<hbm>> -> memref<4096xf32, #tpu.memory_space<hbm>>
        tpu.wait_dma2 semaphore(%arg10 : memref<!tpu.dma_semaphore, #tpu.memory_space<semaphore_mem>>) src(%arg7 : memref<4096xf32, #tpu.memory_space<vmem>>) dst(%dma_wait3A_108 : memref<4096xf32, #tpu.memory_space<hbm>>)
      } else {
      }
      %parallel_loop3A = arith.constant 0 : i32
      %parallel_loop3A_52 = arith.constant 4096 : i32
      %parallel_loop3A_53 = arith.constant 16 : i32
      scf.for %parallel_loop3A_103 = %parallel_loop3A to %parallel_loop3A_52 step %parallel_loop3A_53  : i32 {
        %parallel_loop3A_104 = arith.constant 0 : i32
        %parallel_loop3A_105 = arith.addi %parallel_loop3A_104, %parallel_loop3A_103 : i32
        %parallel_loop3A_106 = arith.index_cast %parallel_loop3A_105 : i32 to index
        %parallel_loop3A_107 = tpu.vector_load %arg6[%parallel_loop3A_106] {strides = array<i32>} : memref<16384xi32, #tpu.memory_space<vmem>>, vector<16xi32>,
        %parallel_loop3A_108 = tpu.vector_load_idx %arg5[%parallel_loop3A_107] : memref<100000xf32, #tpu.memory_space<vmem>>[vector<16xi32>], vector<16xf32>,
        %parallel_loop3A_109 = arith.index_cast %parallel_loop3A_103 : i32 to index
        %parallel_loop3A_110 = tpu.vector_load %arg7[%parallel_loop3A_109] {strides = array<i32>} : memref<4096xf32, #tpu.memory_space<vmem>>, vector<16xf32>,
        tpu.vector_store %arg7[%parallel_loop3A_109], %parallel_loop3A_108 {strides = array<i32>} : memref<4096xf32, #tpu.memory_space<vmem>>, vector<16xf32>,
      } {sc.loop_unroll_factor = 16 : i64, sc.parallel_access}
      %dma_start3A_54 = arith.constant 0 : i32
      %dma_start3A_55 = tpu.memref_slice %arg4[%shift_right_logical3A_34, %and3A_36, %dma_start3A_54] : memref<26x32x16384xf32, #tpu.memory_space<hbm>> -> memref<1x1x4096xf32, #tpu.memory_space<hbm>>
      %dma_start3A_56 = tpu.memref_squeeze %dma_start3A_55 : memref<1x1x4096xf32, #tpu.memory_space<hbm>> -> memref<4096xf32, #tpu.memory_space<hbm>>
      %dma_start3A_57 = arith.constant 0 : i32
      %dma_start3A_58 = tpu.memref_slice %arg4[%shift_right_logical3A_34, %and3A_36, %dma_start3A_57] : memref<26x32x16384xf32, #tpu.memory_space<hbm>> -> memref<1x1x4096xf32, #tpu.memory_space<hbm>>
      %dma_start3A_59 = tpu.memref_squeeze %dma_start3A_58 : memref<1x1x4096xf32, #tpu.memory_space<hbm>> -> memref<4096xf32, #tpu.memory_space<hbm>>
      tpu.enqueue_dma source(%arg7 : memref<4096xf32, #tpu.memory_space<vmem>>) target(%dma_start3A_59 : memref<4096xf32, #tpu.memory_space<hbm>>) target_semaphore(%arg10 : memref<!tpu.dma_semaphore, #tpu.memory_space<semaphore_mem>>)
      %gt3A_60 = arith.cmpi sgt, %while3A_31, %mul3A_2 : i32
      %convert_element_type3A_61 = arith.extui %gt3A_60 : i1 to i32
      %cond3A_62 = arith.constant 0 : i32
      %cond3A_63 = arith.cmpi ne, %convert_element_type3A_61, %cond3A_62 : i32
      scf.if %cond3A_63 {
        %dma_wait3A_103 = arith.constant 4096 : i32
        %dma_wait3A_104 = tpu.memref_slice %arg4[%shift_right_logical3A_34, %and3A_36, %dma_wait3A_103] : memref<26x32x16384xf32, #tpu.memory_space<hbm>> -> memref<1x1x4096xf32, #tpu.memory_space<hbm>>
        %dma_wait3A_105 = tpu.memref_squeeze %dma_wait3A_104 : memref<1x1x4096xf32, #tpu.memory_space<hbm>> -> memref<4096xf32, #tpu.memory_space<hbm>>
        %dma_wait3A_106 = arith.constant 4096 : i32
        %dma_wait3A_107 = tpu.memref_slice %arg4[%shift_right_logical3A_34, %and3A_36, %dma_wait3A_106] : memref<26x32x16384xf32, #tpu.memory_space<hbm>> -> memref<1x1x4096xf32, #tpu.memory_space<hbm>>
        %dma_wait3A_108 = tpu.memref_squeeze %dma_wait3A_107 : memref<1x1x4096xf32, #tpu.memory_space<hbm>> -> memref<4096xf32, #tpu.memory_space<hbm>>
        tpu.wait_dma2 semaphore(%arg11 : memref<!tpu.dma_semaphore, #tpu.memory_space<semaphore_mem>>) src(%arg8 : memref<4096xf32, #tpu.memory_space<vmem>>) dst(%dma_wait3A_108 : memref<4096xf32, #tpu.memory_space<hbm>>)
      } else {
      }
      %parallel_loop3A_64 = arith.constant 0 : i32
      %parallel_loop3A_65 = arith.constant 4096 : i32
      %parallel_loop3A_66 = arith.constant 16 : i32
      scf.for %parallel_loop3A_103 = %parallel_loop3A_64 to %parallel_loop3A_65 step %parallel_loop3A_66  : i32 {
        %parallel_loop3A_104 = arith.constant 4096 : i32
        %parallel_loop3A_105 = arith.addi %parallel_loop3A_104, %parallel_loop3A_103 : i32
        %parallel_loop3A_106 = arith.index_cast %parallel_loop3A_105 : i32 to index
        %parallel_loop3A_107 = tpu.vector_load %arg6[%parallel_loop3A_106] {strides = array<i32>} : memref<16384xi32, #tpu.memory_space<vmem>>, vector<16xi32>,
        %parallel_loop3A_108 = tpu.vector_load_idx %arg5[%parallel_loop3A_107] : memref<100000xf32, #tpu.memory_space<vmem>>[vector<16xi32>], vector<16xf32>,
        %parallel_loop3A_109 = arith.index_cast %parallel_loop3A_103 : i32 to index
        %parallel_loop3A_110 = tpu.vector_load %arg8[%parallel_loop3A_109] {strides = array<i32>} : memref<4096xf32, #tpu.memory_space<vmem>>, vector<16xf32>,
        tpu.vector_store %arg8[%parallel_loop3A_109], %parallel_loop3A_108 {strides = array<i32>} : memref<4096xf32, #tpu.memory_space<vmem>>, vector<16xf32>,
      } {sc.loop_unroll_factor = 16 : i64, sc.parallel_access}
      %dma_start3A_67 = arith.constant 4096 : i32
      %dma_start3A_68 = tpu.memref_slice %arg4[%shift_right_logical3A_34, %and3A_36, %dma_start3A_67] : memref<26x32x16384xf32, #tpu.memory_space<hbm>> -> memref<1x1x4096xf32, #tpu.memory_space<hbm>>
      %dma_start3A_69 = tpu.memref_squeeze %dma_start3A_68 : memref<1x1x4096xf32, #tpu.memory_space<hbm>> -> memref<4096xf32, #tpu.memory_space<hbm>>
      %dma_start3A_70 = arith.constant 4096 : i32
      %dma_start3A_71 = tpu.memref_slice %arg4[%shift_right_logical3A_34, %and3A_36, %dma_start3A_70] : memref<26x32x16384xf32, #tpu.memory_space<hbm>> -> memref<1x1x4096xf32, #tpu.memory_space<hbm>>
      %dma_start3A_72 = tpu.memref_squeeze %dma_start3A_71 : memref<1x1x4096xf32, #tpu.memory_space<hbm>> -> memref<4096xf32, #tpu.memory_space<hbm>>
      tpu.enqueue_dma source(%arg8 : memref<4096xf32, #tpu.memory_space<vmem>>) target(%dma_start3A_72 : memref<4096xf32, #tpu.memory_space<hbm>>) target_semaphore(%arg11 : memref<!tpu.dma_semaphore, #tpu.memory_space<semaphore_mem>>)
      %dma_wait3A_73 = arith.constant 0 : i32
      %dma_wait3A_74 = tpu.memref_slice %arg4[%shift_right_logical3A_34, %and3A_36, %dma_wait3A_73] : memref<26x32x16384xf32, #tpu.memory_space<hbm>> -> memref<1x1x4096xf32, #tpu.memory_space<hbm>>
      %dma_wait3A_75 = tpu.memref_squeeze %dma_wait3A_74 : memref<1x1x4096xf32, #tpu.memory_space<hbm>> -> memref<4096xf32, #tpu.memory_space<hbm>>
      %dma_wait3A_76 = arith.constant 0 : i32
      %dma_wait3A_77 = tpu.memref_slice %arg4[%shift_right_logical3A_34, %and3A_36, %dma_wait3A_76] : memref<26x32x16384xf32, #tpu.memory_space<hbm>> -> memref<1x1x4096xf32, #tpu.memory_space<hbm>>
      %dma_wait3A_78 = tpu.memref_squeeze %dma_wait3A_77 : memref<1x1x4096xf32, #tpu.memory_space<hbm>> -> memref<4096xf32, #tpu.memory_space<hbm>>
      tpu.wait_dma2 semaphore(%arg10 : memref<!tpu.dma_semaphore, #tpu.memory_space<semaphore_mem>>) src(%arg7 : memref<4096xf32, #tpu.memory_space<vmem>>) dst(%dma_wait3A_78 : memref<4096xf32, #tpu.memory_space<hbm>>)
      %parallel_loop3A_79 = arith.constant 0 : i32
      %parallel_loop3A_80 = arith.constant 4096 : i32
      %parallel_loop3A_81 = arith.constant 16 : i32
      scf.for %parallel_loop3A_103 = %parallel_loop3A_79 to %parallel_loop3A_80 step %parallel_loop3A_81  : i32 {
        %parallel_loop3A_104 = arith.constant 8192 : i32
        %parallel_loop3A_105 = arith.addi %parallel_loop3A_104, %parallel_loop3A_103 : i32
        %parallel_loop3A_106 = arith.index_cast %parallel_loop3A_105 : i32 to index
        %parallel_loop3A_107 = tpu.vector_load %arg6[%parallel_loop3A_106] {strides = array<i32>} : memref<16384xi32, #tpu.memory_space<vmem>>, vector<16xi32>,
        %parallel_loop3A_108 = tpu.vector_load_idx %arg5[%parallel_loop3A_107] : memref<100000xf32, #tpu.memory_space<vmem>>[vector<16xi32>], vector<16xf32>,
        %parallel_loop3A_109 = arith.index_cast %parallel_loop3A_103 : i32 to index
        %parallel_loop3A_110 = tpu.vector_load %arg7[%parallel_loop3A_109] {strides = array<i32>} : memref<4096xf32, #tpu.memory_space<vmem>>, vector<16xf32>,
        tpu.vector_store %arg7[%parallel_loop3A_109], %parallel_loop3A_108 {strides = array<i32>} : memref<4096xf32, #tpu.memory_space<vmem>>, vector<16xf32>,
      } {sc.loop_unroll_factor = 16 : i64, sc.parallel_access}
      %dma_start3A_82 = arith.constant 8192 : i32
      %dma_start3A_83 = tpu.memref_slice %arg4[%shift_right_logical3A_34, %and3A_36, %dma_start3A_82] : memref<26x32x16384xf32, #tpu.memory_space<hbm>> -> memref<1x1x4096xf32, #tpu.memory_space<hbm>>
      %dma_start3A_84 = tpu.memref_squeeze %dma_start3A_83 : memref<1x1x4096xf32, #tpu.memory_space<hbm>> -> memref<4096xf32, #tpu.memory_space<hbm>>
      %dma_start3A_85 = arith.constant 8192 : i32
      %dma_start3A_86 = tpu.memref_slice %arg4[%shift_right_logical3A_34, %and3A_36, %dma_start3A_85] : memref<26x32x16384xf32, #tpu.memory_space<hbm>> -> memref<1x1x4096xf32, #tpu.memory_space<hbm>>
      %dma_start3A_87 = tpu.memref_squeeze %dma_start3A_86 : memref<1x1x4096xf32, #tpu.memory_space<hbm>> -> memref<4096xf32, #tpu.memory_space<hbm>>
      tpu.enqueue_dma source(%arg7 : memref<4096xf32, #tpu.memory_space<vmem>>) target(%dma_start3A_87 : memref<4096xf32, #tpu.memory_space<hbm>>) target_semaphore(%arg10 : memref<!tpu.dma_semaphore, #tpu.memory_space<semaphore_mem>>)
      %dma_wait3A_88 = arith.constant 4096 : i32
      %dma_wait3A_89 = tpu.memref_slice %arg4[%shift_right_logical3A_34, %and3A_36, %dma_wait3A_88] : memref<26x32x16384xf32, #tpu.memory_space<hbm>> -> memref<1x1x4096xf32, #tpu.memory_space<hbm>>
      %dma_wait3A_90 = tpu.memref_squeeze %dma_wait3A_89 : memref<1x1x4096xf32, #tpu.memory_space<hbm>> -> memref<4096xf32, #tpu.memory_space<hbm>>
      %dma_wait3A_91 = arith.constant 4096 : i32
      %dma_wait3A_92 = tpu.memref_slice %arg4[%shift_right_logical3A_34, %and3A_36, %dma_wait3A_91] : memref<26x32x16384xf32, #tpu.memory_space<hbm>> -> memref<1x1x4096xf32, #tpu.memory_space<hbm>>
      %dma_wait3A_93 = tpu.memref_squeeze %dma_wait3A_92 : memref<1x1x4096xf32, #tpu.memory_space<hbm>> -> memref<4096xf32, #tpu.memory_space<hbm>>
      tpu.wait_dma2 semaphore(%arg11 : memref<!tpu.dma_semaphore, #tpu.memory_space<semaphore_mem>>) src(%arg8 : memref<4096xf32, #tpu.memory_space<vmem>>) dst(%dma_wait3A_93 : memref<4096xf32, #tpu.memory_space<hbm>>)
      %parallel_loop3A_94 = arith.constant 0 : i32
      %parallel_loop3A_95 = arith.constant 4096 : i32
      %parallel_loop3A_96 = arith.constant 16 : i32
      scf.for %parallel_loop3A_103 = %parallel_loop3A_94 to %parallel_loop3A_95 step %parallel_loop3A_96  : i32 {
        %parallel_loop3A_104 = arith.constant 12288 : i32
        %parallel_loop3A_105 = arith.addi %parallel_loop3A_104, %parallel_loop3A_103 : i32
        %parallel_loop3A_106 = arith.index_cast %parallel_loop3A_105 : i32 to index
        %parallel_loop3A_107 = tpu.vector_load %arg6[%parallel_loop3A_106] {strides = array<i32>} : memref<16384xi32, #tpu.memory_space<vmem>>, vector<16xi32>,
        %parallel_loop3A_108 = tpu.vector_load_idx %arg5[%parallel_loop3A_107] : memref<100000xf32, #tpu.memory_space<vmem>>[vector<16xi32>], vector<16xf32>,
        %parallel_loop3A_109 = arith.index_cast %parallel_loop3A_103 : i32 to index
        %parallel_loop3A_110 = tpu.vector_load %arg8[%parallel_loop3A_109] {strides = array<i32>} : memref<4096xf32, #tpu.memory_space<vmem>>, vector<16xf32>,
        tpu.vector_store %arg8[%parallel_loop3A_109], %parallel_loop3A_108 {strides = array<i32>} : memref<4096xf32, #tpu.memory_space<vmem>>, vector<16xf32>,
      } {sc.loop_unroll_factor = 16 : i64, sc.parallel_access}
      %dma_start3A_97 = arith.constant 12288 : i32
      %dma_start3A_98 = tpu.memref_slice %arg4[%shift_right_logical3A_34, %and3A_36, %dma_start3A_97] : memref<26x32x16384xf32, #tpu.memory_space<hbm>> -> memref<1x1x4096xf32, #tpu.memory_space<hbm>>
      %dma_start3A_99 = tpu.memref_squeeze %dma_start3A_98 : memref<1x1x4096xf32, #tpu.memory_space<hbm>> -> memref<4096xf32, #tpu.memory_space<hbm>>
      %dma_start3A_100 = arith.constant 12288 : i32
      %dma_start3A_101 = tpu.memref_slice %arg4[%shift_right_logical3A_34, %and3A_36, %dma_start3A_100] : memref<26x32x16384xf32, #tpu.memory_space<hbm>> -> memref<1x1x4096xf32, #tpu.memory_space<hbm>>
      %dma_start3A_102 = tpu.memref_squeeze %dma_start3A_101 : memref<1x1x4096xf32, #tpu.memory_space<hbm>> -> memref<4096xf32, #tpu.memory_space<hbm>>
      tpu.enqueue_dma source(%arg8 : memref<4096xf32, #tpu.memory_space<vmem>>) target(%dma_start3A_102 : memref<4096xf32, #tpu.memory_space<hbm>>) target_semaphore(%arg11 : memref<!tpu.dma_semaphore, #tpu.memory_space<semaphore_mem>>)
      scf.yield %shift_right_logical3A_34 : i32
    }
    %while3A_13 = arith.constant 1 : i32
    %while3A_14 = scf.for %while3A_31 = %while3A_10 to %while3A_6 step %while3A_13 iter_args(%while3A_32 = %while3A_12) -> (i32)  : i32 {
      %shift_right_logical3A_33 = arith.constant 5 : i32
      %shift_right_logical3A_34 = arith.shrui %while3A_31, %shift_right_logical3A_33 : i32
      %and3A_35 = arith.constant 31 : i32
      %and3A_36 = arith.andi %while3A_31, %and3A_35 : i32
      %dma_start3A = arith.constant 0 : i32
      %dma_start3A_37 = tpu.memref_slice %arg3[%shift_right_logical3A_34, %and3A_36, %dma_start3A] : memref<26x32x100000xf32, #tpu.memory_space<hbm>> -> memref<1x1x100000xf32, #tpu.memory_space<hbm>>
      %dma_start3A_38 = tpu.memref_squeeze %dma_start3A_37 : memref<1x1x100000xf32, #tpu.memory_space<hbm>> -> memref<100000xf32, #tpu.memory_space<hbm>>
      %dma_start3A_39 = arith.constant 0 : i32
      %dma_start3A_40 = tpu.memref_slice %arg3[%shift_right_logical3A_34, %and3A_36, %dma_start3A_39] : memref<26x32x100000xf32, #tpu.memory_space<hbm>> -> memref<1x1x100000xf32, #tpu.memory_space<hbm>>
      %dma_start3A_41 = tpu.memref_squeeze %dma_start3A_40 : memref<1x1x100000xf32, #tpu.memory_space<hbm>> -> memref<100000xf32, #tpu.memory_space<hbm>>
      tpu.enqueue_dma source(%dma_start3A_41 : memref<100000xf32, #tpu.memory_space<hbm>>) target(%arg5 : memref<100000xf32, #tpu.memory_space<vmem>>) target_semaphore(%arg9 : memref<!tpu.dma_semaphore, #tpu.memory_space<semaphore_mem>>)
      %ne3A = arith.cmpi ne, %shift_right_logical3A_34, %while3A_32 : i32
      %convert_element_type3A = arith.extui %ne3A : i1 to i32
      %cond3A = arith.constant 0 : i32
      %cond3A_42 = arith.cmpi ne, %convert_element_type3A, %cond3A : i32
      scf.if %cond3A_42 {
        "tpu.region"() ({
          %run_scoped3A = tpu.sem_alloc : memref<!tpu.dma_semaphore, #tpu.memory_space<semaphore_mem>>
          %dma_start3A_103 = arith.constant 0 : i32
          %dma_start3A_104 = tpu.memref_slice %arg2[%shift_right_logical3A_34, %dma_start3A_103] : memref<26x16384xi32, #tpu.memory_space<hbm>> -> memref<1x16384xi32, #tpu.memory_space<hbm>>
          %dma_start3A_105 = tpu.memref_squeeze %dma_start3A_104 : memref<1x16384xi32, #tpu.memory_space<hbm>> -> memref<16384xi32, #tpu.memory_space<hbm>>
          %dma_start3A_106 = arith.constant 0 : i32
          %dma_start3A_107 = tpu.memref_slice %arg2[%shift_right_logical3A_34, %dma_start3A_106] : memref<26x16384xi32, #tpu.memory_space<hbm>> -> memref<1x16384xi32, #tpu.memory_space<hbm>>
          %dma_start3A_108 = tpu.memref_squeeze %dma_start3A_107 : memref<1x16384xi32, #tpu.memory_space<hbm>> -> memref<16384xi32, #tpu.memory_space<hbm>>
          tpu.enqueue_dma source(%dma_start3A_108 : memref<16384xi32, #tpu.memory_space<hbm>>) target(%arg6 : memref<16384xi32, #tpu.memory_space<vmem>>) target_semaphore(%run_scoped3A : memref<!tpu.dma_semaphore, #tpu.memory_space<semaphore_mem>>)
          %dma_wait3A_109 = arith.constant 0 : i32
          %dma_wait3A_110 = tpu.memref_slice %arg2[%shift_right_logical3A_34, %dma_wait3A_109] : memref<26x16384xi32, #tpu.memory_space<hbm>> -> memref<1x16384xi32, #tpu.memory_space<hbm>>
          %dma_wait3A_111 = tpu.memref_squeeze %dma_wait3A_110 : memref<1x16384xi32, #tpu.memory_space<hbm>> -> memref<16384xi32, #tpu.memory_space<hbm>>
          %dma_wait3A_112 = arith.constant 0 : i32
          %dma_wait3A_113 = tpu.memref_slice %arg2[%shift_right_logical3A_34, %dma_wait3A_112] : memref<26x16384xi32, #tpu.memory_space<hbm>> -> memref<1x16384xi32, #tpu.memory_space<hbm>>
          %dma_wait3A_114 = tpu.memref_squeeze %dma_wait3A_113 : memref<1x16384xi32, #tpu.memory_space<hbm>> -> memref<16384xi32, #tpu.memory_space<hbm>>
          tpu.wait_dma2 semaphore(%run_scoped3A : memref<!tpu.dma_semaphore, #tpu.memory_space<semaphore_mem>>) src(%dma_wait3A_114 : memref<16384xi32, #tpu.memory_space<hbm>>) dst(%arg6 : memref<16384xi32, #tpu.memory_space<vmem>>)
          tpu.yield
        }) : () -> ()
      } else {
      }
      %dma_wait3A_43 = arith.constant 0 : i32
      %dma_wait3A_44 = tpu.memref_slice %arg3[%shift_right_logical3A_34, %and3A_36, %dma_wait3A_43] : memref<26x32x100000xf32, #tpu.memory_space<hbm>> -> memref<1x1x100000xf32, #tpu.memory_space<hbm>>
      %dma_wait3A_45 = tpu.memref_squeeze %dma_wait3A_44 : memref<1x1x100000xf32, #tpu.memory_space<hbm>> -> memref<100000xf32, #tpu.memory_space<hbm>>
      %dma_wait3A_46 = arith.constant 0 : i32
      %dma_wait3A_47 = tpu.memref_slice %arg3[%shift_right_logical3A_34, %and3A_36, %dma_wait3A_46] : memref<26x32x100000xf32, #tpu.memory_space<hbm>> -> memref<1x1x100000xf32, #tpu.memory_space<hbm>>
      %dma_wait3A_48 = tpu.memref_squeeze %dma_wait3A_47 : memref<1x1x100000xf32, #tpu.memory_space<hbm>> -> memref<100000xf32, #tpu.memory_space<hbm>>
      tpu.wait_dma2 semaphore(%arg9 : memref<!tpu.dma_semaphore, #tpu.memory_space<semaphore_mem>>) src(%dma_wait3A_48 : memref<100000xf32, #tpu.memory_space<hbm>>) dst(%arg5 : memref<100000xf32, #tpu.memory_space<vmem>>)
      %gt3A = arith.cmpi sgt, %while3A_31, %mul3A_2 : i32
      %convert_element_type3A_49 = arith.extui %gt3A : i1 to i32
      %cond3A_50 = arith.constant 0 : i32
      %cond3A_51 = arith.cmpi ne, %convert_element_type3A_49, %cond3A_50 : i32
      scf.if %cond3A_51 {
        %dma_wait3A_103 = arith.constant 0 : i32
        %dma_wait3A_104 = tpu.memref_slice %arg4[%shift_right_logical3A_34, %and3A_36, %dma_wait3A_103] : memref<26x32x16384xf32, #tpu.memory_space<hbm>> -> memref<1x1x4096xf32, #tpu.memory_space<hbm>>
        %dma_wait3A_105 = tpu.memref_squeeze %dma_wait3A_104 : memref<1x1x4096xf32, #tpu.memory_space<hbm>> -> memref<4096xf32, #tpu.memory_space<hbm>>
        %dma_wait3A_106 = arith.constant 0 : i32
        %dma_wait3A_107 = tpu.memref_slice %arg4[%shift_right_logical3A_34, %and3A_36, %dma_wait3A_106] : memref<26x32x16384xf32, #tpu.memory_space<hbm>> -> memref<1x1x4096xf32, #tpu.memory_space<hbm>>
        %dma_wait3A_108 = tpu.memref_squeeze %dma_wait3A_107 : memref<1x1x4096xf32, #tpu.memory_space<hbm>> -> memref<4096xf32, #tpu.memory_space<hbm>>
        tpu.wait_dma2 semaphore(%arg10 : memref<!tpu.dma_semaphore, #tpu.memory_space<semaphore_mem>>) src(%arg7 : memref<4096xf32, #tpu.memory_space<vmem>>) dst(%dma_wait3A_108 : memref<4096xf32, #tpu.memory_space<hbm>>)
      } else {
      }
      %parallel_loop3A = arith.constant 0 : i32
      %parallel_loop3A_52 = arith.constant 4096 : i32
      %parallel_loop3A_53 = arith.constant 16 : i32
      scf.for %parallel_loop3A_103 = %parallel_loop3A to %parallel_loop3A_52 step %parallel_loop3A_53  : i32 {
        %parallel_loop3A_104 = arith.constant 0 : i32
        %parallel_loop3A_105 = arith.addi %parallel_loop3A_104, %parallel_loop3A_103 : i32
        %parallel_loop3A_106 = arith.index_cast %parallel_loop3A_105 : i32 to index
        %parallel_loop3A_107 = tpu.vector_load %arg6[%parallel_loop3A_106] {strides = array<i32>} : memref<16384xi32, #tpu.memory_space<vmem>>, vector<16xi32>,
        %parallel_loop3A_108 = tpu.vector_load_idx %arg5[%parallel_loop3A_107] : memref<100000xf32, #tpu.memory_space<vmem>>[vector<16xi32>], vector<16xf32>,
        %parallel_loop3A_109 = arith.index_cast %parallel_loop3A_103 : i32 to index
        %parallel_loop3A_110 = tpu.vector_load %arg7[%parallel_loop3A_109] {strides = array<i32>} : memref<4096xf32, #tpu.memory_space<vmem>>, vector<16xf32>,
        tpu.vector_store %arg7[%parallel_loop3A_109], %parallel_loop3A_108 {strides = array<i32>} : memref<4096xf32, #tpu.memory_space<vmem>>, vector<16xf32>,
      } {sc.loop_unroll_factor = 16 : i64, sc.parallel_access}
      %dma_start3A_54 = arith.constant 0 : i32
      %dma_start3A_55 = tpu.memref_slice %arg4[%shift_right_logical3A_34, %and3A_36, %dma_start3A_54] : memref<26x32x16384xf32, #tpu.memory_space<hbm>> -> memref<1x1x4096xf32, #tpu.memory_space<hbm>>
      %dma_start3A_56 = tpu.memref_squeeze %dma_start3A_55 : memref<1x1x4096xf32, #tpu.memory_space<hbm>> -> memref<4096xf32, #tpu.memory_space<hbm>>
      %dma_start3A_57 = arith.constant 0 : i32
      %dma_start3A_58 = tpu.memref_slice %arg4[%shift_right_logical3A_34, %and3A_36, %dma_start3A_57] : memref<26x32x16384xf32, #tpu.memory_space<hbm>> -> memref<1x1x4096xf32, #tpu.memory_space<hbm>>
      %dma_start3A_59 = tpu.memref_squeeze %dma_start3A_58 : memref<1x1x4096xf32, #tpu.memory_space<hbm>> -> memref<4096xf32, #tpu.memory_space<hbm>>
      tpu.enqueue_dma source(%arg7 : memref<4096xf32, #tpu.memory_space<vmem>>) target(%dma_start3A_59 : memref<4096xf32, #tpu.memory_space<hbm>>) target_semaphore(%arg10 : memref<!tpu.dma_semaphore, #tpu.memory_space<semaphore_mem>>)
      %gt3A_60 = arith.cmpi sgt, %while3A_31, %mul3A_2 : i32
      %convert_element_type3A_61 = arith.extui %gt3A_60 : i1 to i32
      %cond3A_62 = arith.constant 0 : i32
      %cond3A_63 = arith.cmpi ne, %convert_element_type3A_61, %cond3A_62 : i32
      scf.if %cond3A_63 {
        %dma_wait3A_103 = arith.constant 4096 : i32
        %dma_wait3A_104 = tpu.memref_slice %arg4[%shift_right_logical3A_34, %and3A_36, %dma_wait3A_103] : memref<26x32x16384xf32, #tpu.memory_space<hbm>> -> memref<1x1x4096xf32, #tpu.memory_space<hbm>>
        %dma_wait3A_105 = tpu.memref_squeeze %dma_wait3A_104 : memref<1x1x4096xf32, #tpu.memory_space<hbm>> -> memref<4096xf32, #tpu.memory_space<hbm>>
        %dma_wait3A_106 = arith.constant 4096 : i32
        %dma_wait3A_107 = tpu.memref_slice %arg4[%shift_right_logical3A_34, %and3A_36, %dma_wait3A_106] : memref<26x32x16384xf32, #tpu.memory_space<hbm>> -> memref<1x1x4096xf32, #tpu.memory_space<hbm>>
        %dma_wait3A_108 = tpu.memref_squeeze %dma_wait3A_107 : memref<1x1x4096xf32, #tpu.memory_space<hbm>> -> memref<4096xf32, #tpu.memory_space<hbm>>
        tpu.wait_dma2 semaphore(%arg11 : memref<!tpu.dma_semaphore, #tpu.memory_space<semaphore_mem>>) src(%arg8 : memref<4096xf32, #tpu.memory_space<vmem>>) dst(%dma_wait3A_108 : memref<4096xf32, #tpu.memory_space<hbm>>)
      } else {
      }
      %parallel_loop3A_64 = arith.constant 0 : i32
      %parallel_loop3A_65 = arith.constant 4096 : i32
      %parallel_loop3A_66 = arith.constant 16 : i32
      scf.for %parallel_loop3A_103 = %parallel_loop3A_64 to %parallel_loop3A_65 step %parallel_loop3A_66  : i32 {
        %parallel_loop3A_104 = arith.constant 4096 : i32
        %parallel_loop3A_105 = arith.addi %parallel_loop3A_104, %parallel_loop3A_103 : i32
        %parallel_loop3A_106 = arith.index_cast %parallel_loop3A_105 : i32 to index
        %parallel_loop3A_107 = tpu.vector_load %arg6[%parallel_loop3A_106] {strides = array<i32>} : memref<16384xi32, #tpu.memory_space<vmem>>, vector<16xi32>,
        %parallel_loop3A_108 = tpu.vector_load_idx %arg5[%parallel_loop3A_107] : memref<100000xf32, #tpu.memory_space<vmem>>[vector<16xi32>], vector<16xf32>,
        %parallel_loop3A_109 = arith.index_cast %parallel_loop3A_103 : i32 to index
        %parallel_loop3A_110 = tpu.vector_load %arg8[%parallel_loop3A_109] {strides = array<i32>} : memref<4096xf32, #tpu.memory_space<vmem>>, vector<16xf32>,
        tpu.vector_store %arg8[%parallel_loop3A_109], %parallel_loop3A_108 {strides = array<i32>} : memref<4096xf32, #tpu.memory_space<vmem>>, vector<16xf32>,
      } {sc.loop_unroll_factor = 16 : i64, sc.parallel_access}
      %dma_start3A_67 = arith.constant 4096 : i32
      %dma_start3A_68 = tpu.memref_slice %arg4[%shift_right_logical3A_34, %and3A_36, %dma_start3A_67] : memref<26x32x16384xf32, #tpu.memory_space<hbm>> -> memref<1x1x4096xf32, #tpu.memory_space<hbm>>
      %dma_start3A_69 = tpu.memref_squeeze %dma_start3A_68 : memref<1x1x4096xf32, #tpu.memory_space<hbm>> -> memref<4096xf32, #tpu.memory_space<hbm>>
      %dma_start3A_70 = arith.constant 4096 : i32
      %dma_start3A_71 = tpu.memref_slice %arg4[%shift_right_logical3A_34, %and3A_36, %dma_start3A_70] : memref<26x32x16384xf32, #tpu.memory_space<hbm>> -> memref<1x1x4096xf32, #tpu.memory_space<hbm>>
      %dma_start3A_72 = tpu.memref_squeeze %dma_start3A_71 : memref<1x1x4096xf32, #tpu.memory_space<hbm>> -> memref<4096xf32, #tpu.memory_space<hbm>>
      tpu.enqueue_dma source(%arg8 : memref<4096xf32, #tpu.memory_space<vmem>>) target(%dma_start3A_72 : memref<4096xf32, #tpu.memory_space<hbm>>) target_semaphore(%arg11 : memref<!tpu.dma_semaphore, #tpu.memory_space<semaphore_mem>>)
      %dma_wait3A_73 = arith.constant 0 : i32
      %dma_wait3A_74 = tpu.memref_slice %arg4[%shift_right_logical3A_34, %and3A_36, %dma_wait3A_73] : memref<26x32x16384xf32, #tpu.memory_space<hbm>> -> memref<1x1x4096xf32, #tpu.memory_space<hbm>>
      %dma_wait3A_75 = tpu.memref_squeeze %dma_wait3A_74 : memref<1x1x4096xf32, #tpu.memory_space<hbm>> -> memref<4096xf32, #tpu.memory_space<hbm>>
      %dma_wait3A_76 = arith.constant 0 : i32
      %dma_wait3A_77 = tpu.memref_slice %arg4[%shift_right_logical3A_34, %and3A_36, %dma_wait3A_76] : memref<26x32x16384xf32, #tpu.memory_space<hbm>> -> memref<1x1x4096xf32, #tpu.memory_space<hbm>>
      %dma_wait3A_78 = tpu.memref_squeeze %dma_wait3A_77 : memref<1x1x4096xf32, #tpu.memory_space<hbm>> -> memref<4096xf32, #tpu.memory_space<hbm>>
      tpu.wait_dma2 semaphore(%arg10 : memref<!tpu.dma_semaphore, #tpu.memory_space<semaphore_mem>>) src(%arg7 : memref<4096xf32, #tpu.memory_space<vmem>>) dst(%dma_wait3A_78 : memref<4096xf32, #tpu.memory_space<hbm>>)
      %parallel_loop3A_79 = arith.constant 0 : i32
      %parallel_loop3A_80 = arith.constant 4096 : i32
      %parallel_loop3A_81 = arith.constant 16 : i32
      scf.for %parallel_loop3A_103 = %parallel_loop3A_79 to %parallel_loop3A_80 step %parallel_loop3A_81  : i32 {
        %parallel_loop3A_104 = arith.constant 8192 : i32
        %parallel_loop3A_105 = arith.addi %parallel_loop3A_104, %parallel_loop3A_103 : i32
        %parallel_loop3A_106 = arith.index_cast %parallel_loop3A_105 : i32 to index
        %parallel_loop3A_107 = tpu.vector_load %arg6[%parallel_loop3A_106] {strides = array<i32>} : memref<16384xi32, #tpu.memory_space<vmem>>, vector<16xi32>,
        %parallel_loop3A_108 = tpu.vector_load_idx %arg5[%parallel_loop3A_107] : memref<100000xf32, #tpu.memory_space<vmem>>[vector<16xi32>], vector<16xf32>,
        %parallel_loop3A_109 = arith.index_cast %parallel_loop3A_103 : i32 to index
        %parallel_loop3A_110 = tpu.vector_load %arg7[%parallel_loop3A_109] {strides = array<i32>} : memref<4096xf32, #tpu.memory_space<vmem>>, vector<16xf32>,
        tpu.vector_store %arg7[%parallel_loop3A_109], %parallel_loop3A_108 {strides = array<i32>} : memref<4096xf32, #tpu.memory_space<vmem>>, vector<16xf32>,
      } {sc.loop_unroll_factor = 16 : i64, sc.parallel_access}
      %dma_start3A_82 = arith.constant 8192 : i32
      %dma_start3A_83 = tpu.memref_slice %arg4[%shift_right_logical3A_34, %and3A_36, %dma_start3A_82] : memref<26x32x16384xf32, #tpu.memory_space<hbm>> -> memref<1x1x4096xf32, #tpu.memory_space<hbm>>
      %dma_start3A_84 = tpu.memref_squeeze %dma_start3A_83 : memref<1x1x4096xf32, #tpu.memory_space<hbm>> -> memref<4096xf32, #tpu.memory_space<hbm>>
      %dma_start3A_85 = arith.constant 8192 : i32
      %dma_start3A_86 = tpu.memref_slice %arg4[%shift_right_logical3A_34, %and3A_36, %dma_start3A_85] : memref<26x32x16384xf32, #tpu.memory_space<hbm>> -> memref<1x1x4096xf32, #tpu.memory_space<hbm>>
      %dma_start3A_87 = tpu.memref_squeeze %dma_start3A_86 : memref<1x1x4096xf32, #tpu.memory_space<hbm>> -> memref<4096xf32, #tpu.memory_space<hbm>>
      tpu.enqueue_dma source(%arg7 : memref<4096xf32, #tpu.memory_space<vmem>>) target(%dma_start3A_87 : memref<4096xf32, #tpu.memory_space<hbm>>) target_semaphore(%arg10 : memref<!tpu.dma_semaphore, #tpu.memory_space<semaphore_mem>>)
      %dma_wait3A_88 = arith.constant 4096 : i32
      %dma_wait3A_89 = tpu.memref_slice %arg4[%shift_right_logical3A_34, %and3A_36, %dma_wait3A_88] : memref<26x32x16384xf32, #tpu.memory_space<hbm>> -> memref<1x1x4096xf32, #tpu.memory_space<hbm>>
      %dma_wait3A_90 = tpu.memref_squeeze %dma_wait3A_89 : memref<1x1x4096xf32, #tpu.memory_space<hbm>> -> memref<4096xf32, #tpu.memory_space<hbm>>
      %dma_wait3A_91 = arith.constant 4096 : i32
      %dma_wait3A_92 = tpu.memref_slice %arg4[%shift_right_logical3A_34, %and3A_36, %dma_wait3A_91] : memref<26x32x16384xf32, #tpu.memory_space<hbm>> -> memref<1x1x4096xf32, #tpu.memory_space<hbm>>
      %dma_wait3A_93 = tpu.memref_squeeze %dma_wait3A_92 : memref<1x1x4096xf32, #tpu.memory_space<hbm>> -> memref<4096xf32, #tpu.memory_space<hbm>>
      tpu.wait_dma2 semaphore(%arg11 : memref<!tpu.dma_semaphore, #tpu.memory_space<semaphore_mem>>) src(%arg8 : memref<4096xf32, #tpu.memory_space<vmem>>) dst(%dma_wait3A_93 : memref<4096xf32, #tpu.memory_space<hbm>>)
      %parallel_loop3A_94 = arith.constant 0 : i32
      %parallel_loop3A_95 = arith.constant 4096 : i32
      %parallel_loop3A_96 = arith.constant 16 : i32
      scf.for %parallel_loop3A_103 = %parallel_loop3A_94 to %parallel_loop3A_95 step %parallel_loop3A_96  : i32 {
        %parallel_loop3A_104 = arith.constant 12288 : i32
        %parallel_loop3A_105 = arith.addi %parallel_loop3A_104, %parallel_loop3A_103 : i32
        %parallel_loop3A_106 = arith.index_cast %parallel_loop3A_105 : i32 to index
        %parallel_loop3A_107 = tpu.vector_load %arg6[%parallel_loop3A_106] {strides = array<i32>} : memref<16384xi32, #tpu.memory_space<vmem>>, vector<16xi32>,
        %parallel_loop3A_108 = tpu.vector_load_idx %arg5[%parallel_loop3A_107] : memref<100000xf32, #tpu.memory_space<vmem>>[vector<16xi32>], vector<16xf32>,
        %parallel_loop3A_109 = arith.index_cast %parallel_loop3A_103 : i32 to index
        %parallel_loop3A_110 = tpu.vector_load %arg8[%parallel_loop3A_109] {strides = array<i32>} : memref<4096xf32, #tpu.memory_space<vmem>>, vector<16xf32>,
        tpu.vector_store %arg8[%parallel_loop3A_109], %parallel_loop3A_108 {strides = array<i32>} : memref<4096xf32, #tpu.memory_space<vmem>>, vector<16xf32>,
      } {sc.loop_unroll_factor = 16 : i64, sc.parallel_access}
      %dma_start3A_97 = arith.constant 12288 : i32
      %dma_start3A_98 = tpu.memref_slice %arg4[%shift_right_logical3A_34, %and3A_36, %dma_start3A_97] : memref<26x32x16384xf32, #tpu.memory_space<hbm>> -> memref<1x1x4096xf32, #tpu.memory_space<hbm>>
      %dma_start3A_99 = tpu.memref_squeeze %dma_start3A_98 : memref<1x1x4096xf32, #tpu.memory_space<hbm>> -> memref<4096xf32, #tpu.memory_space<hbm>>
      %dma_start3A_100 = arith.constant 12288 : i32
      %dma_start3A_101 = tpu.memref_slice %arg4[%shift_right_logical3A_34, %and3A_36, %dma_start3A_100] : memref<26x32x16384xf32, #tpu.memory_space<hbm>> -> memref<1x1x4096xf32, #tpu.memory_space<hbm>>
      %dma_start3A_102 = tpu.memref_squeeze %dma_start3A_101 : memref<1x1x4096xf32, #tpu.memory_space<hbm>> -> memref<4096xf32, #tpu.memory_space<hbm>>
      tpu.enqueue_dma source(%arg8 : memref<4096xf32, #tpu.memory_space<vmem>>) target(%dma_start3A_102 : memref<4096xf32, #tpu.memory_space<hbm>>) target_semaphore(%arg11 : memref<!tpu.dma_semaphore, #tpu.memory_space<semaphore_mem>>)
      scf.yield %shift_right_logical3A_34 : i32
    }
    %add3A_15 = arith.constant 26 : i32
    %add3A_16 = arith.addi %mul3A_2, %add3A_15 : i32
    %sub3A = arith.constant 1 : i32
    %sub3A_17 = arith.subi %add3A_16, %sub3A : i32
    %shift_right_logical3A = arith.constant 5 : i32
    %shift_right_logical3A_18 = arith.shrui %sub3A_17, %shift_right_logical3A : i32
    %and3A = arith.constant 31 : i32
    %and3A_19 = arith.andi %sub3A_17, %and3A : i32
    %dma_wait3A = arith.constant 8192 : i32
    %dma_wait3A_20 = tpu.memref_slice %arg4[%shift_right_logical3A_18, %and3A_19, %dma_wait3A] : memref<26x32x16384xf32, #tpu.memory_space<hbm>> -> memref<1x1x4096xf32, #tpu.memory_space<hbm>>
    %dma_wait3A_21 = tpu.memref_squeeze %dma_wait3A_20 : memref<1x1x4096xf32, #tpu.memory_space<hbm>> -> memref<4096xf32, #tpu.memory_space<hbm>>
    %dma_wait3A_22 = arith.constant 8192 : i32
    %dma_wait3A_23 = tpu.memref_slice %arg4[%shift_right_logical3A_18, %and3A_19, %dma_wait3A_22] : memref<26x32x16384xf32, #tpu.memory_space<hbm>> -> memref<1x1x4096xf32, #tpu.memory_space<hbm>>
    %dma_wait3A_24 = tpu.memref_squeeze %dma_wait3A_23 : memref<1x1x4096xf32, #tpu.memory_space<hbm>> -> memref<4096xf32, #tpu.memory_space<hbm>>
    tpu.wait_dma2 semaphore(%arg10 : memref<!tpu.dma_semaphore, #tpu.memory_space<semaphore_mem>>) src(%arg7 : memref<4096xf32, #tpu.memory_space<vmem>>) dst(%dma_wait3A_24 : memref<4096xf32, #tpu.memory_space<hbm>>)
    %dma_wait3A_25 = arith.constant 12288 : i32
    %dma_wait3A_26 = tpu.memref_slice %arg4[%shift_right_logical3A_18, %and3A_19, %dma_wait3A_25] : memref<26x32x16384xf32, #tpu.memory_space<hbm>> -> memref<1x1x4096xf32, #tpu.memory_space<hbm>>
    %dma_wait3A_27 = tpu.memref_squeeze %dma_wait3A_26 : memref<1x1x4096xf32, #tpu.memory_space<hbm>> -> memref<4096xf32, #tpu.memory_space<hbm>>
    %dma_wait3A_28 = arith.constant 12288 : i32
    %dma_wait3A_29 = tpu.memref_slice %arg4[%shift_right_logical3A_18, %and3A_19, %dma_wait3A_28] : memref<26x32x16384xf32, #tpu.memory_space<hbm>> -> memref<1x1x4096xf32, #tpu.memory_space<hbm>>
    %dma_wait3A_30 = tpu.memref_squeeze %dma_wait3A_29 : memref<1x1x4096xf32, #tpu.memory_space<hbm>> -> memref<4096xf32, #tpu.memory_space<hbm>>
    tpu.wait_dma2 semaphore(%arg11 : memref<!tpu.dma_semaphore, #tpu.memory_space<semaphore_mem>>) src(%arg8 : memref<4096xf32, #tpu.memory_space<vmem>>) dst(%dma_wait3A_30 : memref<4096xf32, #tpu.memory_space<hbm>>)
    return
  }
}

</mosaic_0001>

<sc_bundles>
// kernel: kernel.3.cloned.1.call-start
scs
__scs_entry_jumppad:
0x0: {  	(pc) =	sbr.rel $0x88, $3  }
0x1: {  	(tag) =	ssettag $0x0;
	lr =	simm.s32 $0x1  }
0x2: {  	[smem:$0x3F9F] =	sst lr;
	_ =	strace $0xD0000000  }
0x3: {  	_ = 	snop  }
0x4: {  	_ = 	snop  }
0x5: {  	_ = 	snop  }
0x6: {  	_ = 	snop  }
0x7: {  	_ = 	snop  }
__scs_overlays_trampoline_lowered:
0x8: {  	[smem:$0x3FAE] =	sst s0  }
0x9: {  	[smem:$0x3FAF] =	sst s1  }
0xa: {  	[smem:$0x3FB0] =	sst s2  }
0xb: {  	[smem:$0x3FB1] =	sst s3  }
0xc: {  	[smem:$0x3FB2] =	sst s4  }
0xd: {  	[smem:$0x3FB3] =	sst s5  }
0xe: {  	[smem:$0x3FB4] =	sst s6  }
0xf: {  	[smem:$0x3FB5] =	sst s7  }
0x10: {  	[smem:$0x3FB6] =	sst s8  }
0x11: {  	[smem:$0x3FB7] =	sst s9;
	s0 =	simm.s32 @!p0 $0x0  }
0x12: {  	s1 =	sld [smem:$0x3F9D];
	s0 =	simm.s32 @p0 $0x1  }
0x13: {  	[smem:$0x3FB8] =	sst s0;
	s0 =	simm.s32 @!p1 $0x0  }
0x14: {  	s2 =	sld [smem:$0x3F9C];
	s0 =	simm.s32 @p1 $0x1  }
0x15: {  	[smem:$0x3FB9] =	sst s0;
	s0 =	simm.s32 @!p2 $0x0  }
0x16: {  	s3 =	sld [smem:$0x3FDB];
	s0 =	simm.s32 @p2 $0x1  }
0x17: {  	s4 =	simm.s32 $0x1BF5;
	[smem:$0x3FBB] =	sst s0  }
0x18: {  	s0 =	sld [smem:$0x3F9E];
	_ =	swait.ge [sflag:s4], $0x0  }
0x19: {  	s7 =	sld [smem:$0x3F9F]  }
0x1a: {  	s8 =	sadd.s32 $0xFFFFE003, lr  }
0x1b: {  	s9 =	sadd.s32 $0xFFFFFEF7, lr;
	s5 =	simm.s32 $0xFFFFFFFF;
	p2 =	slt.u32 s8, $0xFFFFF086  }
0x1c: {  	p1 =	slt.u32 s9, $0xF7A;
	s5 =	simm.s32 @!p2 $0x0  }
0x1d: {  	s5 =	simm.s32 @p1 $0x1;
	p0 =	seq.s32 s7, s2  }
0x1e: {  	s7 =	smul.u32 @!p0 $0xF7A, s2;
	p2 =	seq.s32 @!p0 s5, $0x0  }
0x1f: {  	s9 =	smul.u32 $0xF7A, s1;
	s8 =	simm.s32 @!p0 $0x1BF5;
	p2 =	por !p2, p0  }
0x20: {  	[sflag:s8] =	ssyncset.s32 @!p0 $0xFFFFF086;
	s6 =	sadd.s32 @!p0 s3, s7;
	s7 =	simm.s32 @!p0 $0x108  }
0x21: {  	s3 =	sadd.s32 s3, s9;
	s6 =	sadd.s32 @!p0 $0x88, s6;
	s7 =	simm.s32 @p2 $0x1082  }
0x22: {  	[simem:s7], [sflag:s8] =	dma.local @!p0 [hbm:s6], $0xF7A  }
0x23: {  	s9 =	sor.u32 $0xD0000000, s2;
	s6 =	simm.s32 $0x108;
	_ =	swait.ge @!p0 [sflag:s8], $0x0  }
0x24: {  	s3 =	sadd.s32 $0x88, s3;
	s6 =	simm.s32 @!p1 $0x1082;
	[sflag:s4] =	ssyncset.s32 $0xFFFFF086  }
0x25: {  	[simem:s6], [sflag:s4] =	dma.local [hbm:s3], $0xF7A  }
0x26: {  	[smem:$0x3F9F] =	sst s1;
	(tag) =	ssettag s2;
	_ =	strace s9  }
0x27: {  	s1 =	sld [smem:$0x3FAF]  }
0x28: {  	s2 =	sld [smem:$0x3FB0]  }
0x29: {  	s4 =	sld [smem:$0x3FB2]  }
0x2a: {  	p0 =	seq.s32 s5, $0x0;
	s5 =	sld [smem:$0x3FB3]  }
0x2b: {  	s6 =	sld [smem:$0x3FB4]  }
0x2c: {  	s7 =	sld [smem:$0x3FB5]  }
0x2d: {  	s3 =	simm.s32 $0x108;
	s8 =	sld [smem:$0x3FB6]  }
0x2e: {  	s3 =	simm.s32 @!p0 $0x1082;
	s9 =	sld [smem:$0x3FB7]  }
0x2f: {  	lr =	sadd.s32 s0, s3;
	s0 =	sld [smem:$0x3FAE]  }
0x30: {  	s3 =	sld [smem:$0x3FB1]  }
0x31: {  	[smem:$0x3FBA] =	sst s10  }
0x32: {  	s10 =	sld [smem:$0x3FB8];
	_ =	sdelay $0x3  }
0x33: {  	p0 =	seq.s32 s10, $0x1;
	s10 =	sld [smem:$0x3FBA];
	_ =	sdelay $0x3  }
0x34: {  	[smem:$0x3FBA] =	sst s10  }
0x35: {  	s10 =	sld [smem:$0x3FB9];
	_ =	sdelay $0x3  }
0x36: {  	p1 =	seq.s32 s10, $0x1;
	s10 =	sld [smem:$0x3FBA];
	_ =	sdelay $0x3  }
0x37: {  	[smem:$0x3FBA] =	sst s10  }
0x38: {  	s10 =	sld [smem:$0x3FBB]  }
0x39: {  	_ = 	snop;
	(pc) =	sbr.ind lr, $3  }
0x3a: {  	_ = 	snop  }
0x3b: {  	_ = 	snop  }
0x3c: {  	p2 =	seq.s32 s10, $0x1;
	s10 =	sld [smem:$0x3FBA]  }
0x3d: {  	_ =	shalt  }
0x3e: {  	_ =	shalt  }
0x3f: {  	_ =	shalt  }
0x40: {  	_ =	shalt  }
0x41: {  	_ =	shalt  }
0x42: {  	_ =	shalt  }
0x43: {  	_ =	shalt  }
0x44: {  	_ =	shalt  }
0x45: {  	_ =	shalt  }
0x46: {  	_ =	shalt  }
0x47: {  	_ =	shalt  }
0x48: {  	_ =	shalt  }
0x49: {  	_ =	shalt  }
0x4a: {  	_ =	shalt  }
0x4b: {  	_ =	shalt  }
0x4c: {  	_ =	shalt  }
0x4d: {  	_ =	shalt  }
0x4e: {  	_ =	shalt  }
0x4f: {  	_ =	shalt  }
0x50: {  	_ =	shalt  }
0x51: {  	_ =	shalt  }
0x52: {  	_ =	shalt  }
0x53: {  	_ =	shalt  }
0x54: {  	_ =	shalt  }
0x55: {  	_ =	shalt  }
0x56: {  	_ =	shalt  }
0x57: {  	_ =	shalt  }
0x58: {  	_ =	shalt  }
0x59: {  	_ =	shalt  }
0x5a: {  	_ =	shalt  }
0x5b: {  	_ =	shalt  }
0x5c: {  	_ =	shalt  }
0x5d: {  	_ =	shalt  }
0x5e: {  	_ =	shalt  }
0x5f: {  	_ =	shalt  }
0x60: {  	_ =	shalt  }
0x61: {  	_ =	shalt  }
0x62: {  	_ =	shalt  }
0x63: {  	_ =	shalt  }
0x64: {  	_ =	shalt  }
0x65: {  	_ =	shalt  }
0x66: {  	_ =	shalt  }
0x67: {  	_ =	shalt  }
0x68: {  	_ =	shalt  }
0x69: {  	_ =	shalt  }
0x6a: {  	_ =	shalt  }
0x6b: {  	_ =	shalt  }
0x6c: {  	_ =	shalt  }
0x6d: {  	_ =	shalt  }
0x6e: {  	_ =	shalt  }
0x6f: {  	_ =	shalt  }
0x70: {  	_ =	shalt  }
0x71: {  	_ =	shalt  }
0x72: {  	_ =	shalt  }
0x73: {  	_ =	shalt  }
0x74: {  	_ =	shalt  }
0x75: {  	_ =	shalt  }
0x76: {  	_ =	shalt  }
0x77: {  	_ =	shalt  }
0x78: {  	_ =	shalt  }
0x79: {  	_ =	shalt  }
0x7a: {  	_ =	shalt  }
0x7b: {  	_ =	shalt  }
0x7c: {  	_ =	shalt  }
0x7d: {  	_ =	shalt  }
0x7e: {  	_ =	shalt  }
0x7f: {  	_ =	shalt  }
0x80: {  	_ =	shalt  }
0x81: {  	_ =	shalt  }
0x82: {  	_ =	shalt  }
0x83: {  	_ =	shalt  }
0x84: {  	_ =	shalt  }
0x85: {  	_ =	shalt  }
0x86: {  	_ =	shalt  }
0x87: {  	_ =	shalt  }
.Lfunc_end0:
.L_simem_size_0:
called_computation_lowered:
.L_overlay_start_0:
0x88: {  	s2 =	sld [smem:$0x3FD9]  }
0x89: {  	s3 =	sld [smem:$0x3FFE];
	_ =	sdelay $0x1  }
0x8a: {  	s1 =	srdreg.scid  }
0x8b: {  	s0 =	sand.u32 $0x1, s1  }
0x8c: {  	s18 =	sshll.u32 s0, $0xA;
	s2 =	sadd.s32 s3, s2  }
0x8d: {  	s2 =	sadd.s32 s2, s18  }
0x8e: {  	[smem:$0x3FC6] =	sst s2  }
0x8f: {  	_ = 	snop  }
0x90: {  	s2 =	sld [smem:$0x3FC9]  }
0x91: {  	s19 =	sld [smem:$0x3FC8]  }
0x92: {  	s4 =	sld [smem:$0x3FD0];
	(tm) =	ssettm $0x1  }
0x93: {  	s5 =	sld [smem:$0x3FFB];
	_ =	sdelay $0x3  }
0x94: {  	_ =	strace s5  }
0x95: {  	s5 =	sld [smem:$0x3FFC];
	_ =	sdelay $0x3  }
0x96: {  	_ =	strace s5  }
0x97: {  	s5 =	sld [smem:$0x3FFD];
	_ =	sdelay $0x3  }
0x98: {  	_ =	strace s5  }
0x99: {  	_ =	strace $0x8FFFFFFF  }
0x9a: {  	s20 =	sld [smem:$0x3FDB];
	_ =	sdelay $0x1  }
0x9b: {  	s6 =	simm.s32 $_scs_section_size  }
0x9c: {  	s7 =	simm.s32 $_size__tile_overlayer_lowered;
	s8 =	simm.s32 $_tile_overlayer_lowered  }
0x9d: {  	s23 =	simm.s32 $0x1BFF;
	s22 =	sshll.u32 s8, $0x1;
	s5 =	sadd.s32 s6, s20  }
0x9e: {  	s9 =	simm.s32 $0x0;
	s21 =	sshll.u32 s7, $0x1;
	s7 =	sadd.s32 s22, s5  }
0x9f: {  	[timem:s9], [sflag:s23] =	dma.local [hbm:s7], s21  }
0xa0: {  	_ =	swait.ge [sflag:s23], s21  }
0xa1: {  	s6 =	ssub.s32 $0x0, s21;
	[sflag:s23] =	ssyncset.done $0x0  }
0xa2: {  	[sflag:s23] =	ssyncadd.s32 s6;
	_ =	sdelay $0x1  }
0xa3: {  	s24 =	simm.s32 $0x1B8B  }
0xa4: {  	_ =	swait.ge [sflag:s24], $0x1  }
0xa5: {  	[sflag:s24] =	ssyncset.done $0x0  }
0xa6: {  	s25 =	simm.s32 $0x1B8E;
	[sflag:s24] =	ssyncadd.s32 $0xFFFFFFFF  }
0xa7: {  	s26 =	simm.s32 $execute0_lowered;
	[smem:$0x3FD2] =	sst s25  }
0xa8: {  	s6 =	sshll.u32 s26, $0x1;
	_ =	strace $0x80000046;
	[dreg:$0x1] =	wrdreg $0xFFFFFFFF  }
0xa9: {  	s28 =	simm.s32 $_size_execute0_lowered;
	s5 =	sadd.s32 s5, s6;
	[dreg:$0x0] =	wrdreg $0x0  }
0xaa: {  	s6 =	sshll.u32 s28, $0x1;
	[dreg:$0x2] =	wrdreg s5  }
0xab: {  	[dreg:$0x3] =	wrdreg s6  }
0xac: {  	[dreg:$0x4] =	wrdreg $0xC0  }
0xad: {  	_ =	task [dreg:s9], $0x5FFFF  }
0xae: {  	[dreg:$0x1] =	wrdreg $0xFFFFFFFF  }
0xaf: {  	[dreg:$0x0] =	wrdreg $0x60  }
0xb0: {  	[dreg:$0x2] =	wrdreg s2  }
0xb1: {  	[dreg:$0x3] =	wrdreg s19  }
0xb2: {  	[dreg:$0x4] =	wrdreg s4  }
0xb3: {  	[dreg:$0x5] =	wrdreg $0x9  }
0xb4: {  	_ =	task.clear_ibuf [dreg:s9], $0x6FFFF;
	_ =	strace $0x90000046  }
0xb5: {  	s29 =	simm.s32 $0x9;
	_ =	strace $0x80000048  }
0xb6: {  	_ =	swait.ge [sflag:s29], $0x1  }
0xb7: {  	[sflag:s29] =	ssyncadd.s32 $0xFFFFFFFF  }
0xb8: {  	_ =	strace $0x90000048  }
0xb9: {  	_ =	sfence  }
0xba: {  	s30 =	sld [smem:$0x0];
	_ =	sdelay $0x2  }
0xbb: {  	s31 =	sshll.u32 s1, $0xD;
	s1 =	sshrl.u32 s1, $0x2  }
0xbc: {  	s3 =	sand.u32 $0x4000, s31;
	s1 =	sadd.s32 s1, s30  }
0xbd: {  	s0 =	sor.u32 s3, s0;
	s1 =	sshll.u32 s1, $0x11  }
0xbe: {  	s0 =	sor.u32 s1, s0  }
0xbf: {  	s0 =	sadd.s32 $0x8F2B, s0  }
0xc0: {  	[sflag:s0] =	ssyncadd.remote.s32 $0x1  }
0xc1: {  	_ =	sfence.sel $0xFFFF  }
0xc2: {  	[dreg:$0x0] =	wrdreg $0xFFFFFFFF;
	(pc) =	sbr.abs _section_cstart, $3  }
0xc3: {  	[dreg:$0x1] =	wrdreg $0xFFFFFFFF  }
0xc4: {  	_ =	task.clear_ibuf [dreg:s9], $0x2FFFF;
	_ =	strace $0x9FFFFFFF  }
0xc5: {  	(tm) =	ssettm $0x7FFFFFFF  }
tec
execute0_lowered:
.L_overlay_start_1:
0x0: {  	(tag) =	ssettag $0x1  }
0x1: {  	s1 =	rddreg [dreg:$0x0]  }
0x2: {  	s3 =	rddreg [dreg:$0x1];
	s2 =	srdreg.scid  }
0x3: {  	s0 =	stileid.u32;
	s4 =	rddreg [dreg:$0x2]  }
0x4: {  	s12 =	simm.s32 $0x80;
	s13 =	simm.s32 $0x400;
	s14 =	simm.s32 $0x1  }
0x5: {  	s15 =	simm.s32 $0x1C700;
	s16 =	simm.s32 $0x1D700;
	s17 =	simm.s32 $0x2  }
0x6: {  	s18 =	simm.s32 $0x3;
	s19 =	simm.s32 $0x0;
	s6 =	sand.u32 $0x1, s2  }
0x7: {  	s5 =	sshll.u32 s0, $0x1;
	s2 =	rddreg [dreg:$0x3];
	s9 =	sadd.s32 $0x2000, s4  }
0x8: {  	s7 =	sor.u32 s6, s5;
	s5 =	simm.s32 $0x0;
	s8 =	ssub.s32 $0x2, s6  }
0x9: {  	s6 =	smul.u32 $0x1A, s7;
	[smem:$0x7FF] =	sst s5;
	s31 =	sshrl.u32 s8, $0x1  }
0xa: {  	s10 =	sadd.s32 $0x3000, s4;
	_ =	strace $0x80000047;
	s11 =	ssub.s32 s8, s31  }
0xb: {  	s8 =	sadd.s32 $0x1000, s4;
	s7 =	sadd.s32 $0x1A, s6;
	s11 =	smax.u32 s11, $0x1  }
.LBB2_1:
0xc: {  	s20 =	simm.s32 $0xFFFFFFFF;
	s21 =	smov.u32 s6  }
.LBB2_2:
0xd: {  	s24 =	smov.u32 s20;
	s20 =	sshrl.u32 s21, $0x5;
	s22 =	sshrl.u32 s21, $0x3  }
0xe: {  	s22 =	sand.u32 $0x3, s22;
	s25 =	smul.u32 $0x30E000, s20  }
0xf: {  	s26 =	smul.u32 $0xC3800, s22  }
0x10: {  	s23 =	sshll.u32 s21, $0x7  }
0x11: {  	s23 =	sand.u32 $0x380, s23;
	s25 =	sadd.s32 s25, s26  }
0x12: {  	s25 =	sor.u32 s23, s25  }
0x13: {  	s25 =	sshrl.u32 s25, $0x3  }
0x14: {  	p0 =	seq.s32 s20, s24;
	s25 =	sadd.s32 s3, s25  }
0x15: {  	[tilespmem:s5], [sflag:$0x1] =	stream.strided.gather [hbm4b:s25+s12], $0x18700, s13, s12, $0x38;
	[tilespmem:$0x1E700] =	vst v63  }
0x16: {  	s24 =	sshll.u32 @!p0 s21, $0x9;
	s25 =	sshll.u32 @!p0 s20, $0x7  }
0x17: {  	s24 =	sand.u32 @!p0 $0xFFFE0000, s24;
	s25 =	sand.u32 @!p0 $0x380, s25  }
0x18: {  	s24 =	sor.u32 @!p0 s24, s25  }
0x19: {  	s28 =	simm.s32 @!p0 $0x18700;
	s24 =	sshrl.u32 @!p0 s24, $0x3  }
0x1a: {  	s26 =	simm.s32 @!p0 $0x400;
	s25 =	simm.s32 @!p0 $0x80;
	s24 =	sadd.s32 @!p0 s1, s24  }
0x1b: {  	[tilespmem:s28], [sflag:$0x4] =	stream.strided.gather @!p0 [hbm4b:s24+s25], $0x4000, s26, s25, $0x38;
	[tilespmem:$0x1E700] =	vst v63  }
0x1c: {  	s24 =	simm.s32 @!p0 $0x4  }
0x1d: {  	_ =	swait.ge @!p0 [sflag:s24], $0x4000  }
0x1e: {  	[sflag:s24] =	ssyncset.done @!p0 $0x0  }
0x1f: {  	[sflag:s24] =	ssyncadd.s32 @!p0 $0xFFFFC000  }
0x20: {  	_ =	swait.ge [sflag:s14], $0x18700  }
0x21: {  	p0 =	sle.u32 s21, s6;
	[sflag:s14] =	ssyncset.done $0x0  }
0x22: {  	s24 =	simm.s32 @!p0 $0x2;
	[sflag:s14] =	ssyncadd.s32 $0xFFFE7900  }
0x23: {  	_ =	swait.ge @!p0 [sflag:s24], $0x1000  }
0x24: {  	[sflag:s24] =	ssyncset.done @!p0 $0x0  }
0x25: {  	s31 =	simm.s32 $0x18780;
	[sflag:s24] =	ssyncadd.s32 @!p0 $0xFFFFF000  }
0x26: {  	v0 =	vld [tilespmem:s31+$0x70]  }
0x27: {  	v1 =	vld [tilespmem:s31+$0xFFFFFF90]  }
0x28: {  	v2 =	vld [tilespmem:s31+$0xFFFFFFA0]  }
0x29: {  	v3 =	vld [tilespmem:s31+$0xFFFFFFB0]  }
0x2a: {  	v4 =	vld [tilespmem:s31+$0xFFFFFFC0]  }
0x2b: {  	v5 =	vld [tilespmem:s31+$0xFFFFFFD0]  }
0x2c: {  	v6 =	vld [tilespmem:s31+$0xFFFFFFE0]  }
0x2d: {  	v7 =	vld [tilespmem:s31+$0xFFFFFFF0]  }
0x2e: {  	v8 =	vld [tilespmem:s31+$0x0]  }
0x2f: {  	v9 =	vld [tilespmem:s31+$0x10]  }
0x30: {  	v10 =	vld [tilespmem:s31+$0x20]  }
0x31: {  	v11 =	vld [tilespmem:s31+$0x30]  }
0x32: {  	v12 =	vld [tilespmem:s31+$0x40]  }
0x33: {  	v13 =	vld [tilespmem:s31+$0x50]  }
0x34: {  	v14 =	vld [tilespmem:s31+$0x60]  }
0x35: {  	v15 =	vld [tilespmem:s31+$0xFFFFFF80]  }
0x36: {  	v0 =	vld.idx.msk [tilespmem:v0+s5+$0x0], $0xffff  }
0x37: {  	v1 =	vld.idx.msk [tilespmem:v1+s5+$0x0], $0xffff  }
0x38: {  	v2 =	vld.idx.msk [tilespmem:v2+s5+$0x0], $0xffff  }
0x39: {  	v3 =	vld.idx.msk [tilespmem:v3+s5+$0x0], $0xffff  }
0x3a: {  	v4 =	vld.idx.msk [tilespmem:v4+s5+$0x0], $0xffff  }
0x3b: {  	s24 =	simm.s32 $0x1C780;
	v5 =	vld.idx.msk [tilespmem:v5+s5+$0x0], $0xffff  }
0x3c: {  	[tilespmem:s24+$0x70] =	vst v0;
	v0 =	vld.idx.msk [tilespmem:v6+s5+$0x0], $0xffff  }
0x3d: {  	[tilespmem:s24+$0xFFFFFF90] =	vst v1;
	v1 =	vld.idx.msk [tilespmem:v7+s5+$0x0], $0xffff  }
0x3e: {  	v6 =	vld.idx.msk [tilespmem:v15+s5+$0x0], $0xffff;
	[tilespmem:s24+$0xFFFFFFA0] =	vst v2  }
0x3f: {  	[tilespmem:s24+$0xFFFFFFB0] =	vst v3;
	v7 =	vld.idx.msk [tilespmem:v8+s5+$0x0], $0xffff  }
0x40: {  	[tilespmem:s24+$0xFFFFFFC0] =	vst v4;
	v3 =	vld.idx.msk [tilespmem:v9+s5+$0x0], $0xffff  }
0x41: {  	[tilespmem:s24+$0xFFFFFFD0] =	vst v5;
	v4 =	vld.idx.msk [tilespmem:v10+s5+$0x0], $0xffff  }
0x42: {  	v2 =	vld.idx.msk [tilespmem:v13+s5+$0x0], $0xffff;
	[tilespmem:s24+$0xFFFFFFE0] =	vst v0  }
0x43: {  	v0 =	vld.idx.msk [tilespmem:v11+s5+$0x0], $0xffff;
	[tilespmem:s24+$0xFFFFFFF0] =	vst v1  }
0x44: {  	v1 =	vld.idx.msk [tilespmem:v12+s5+$0x0], $0xffff;
	[tilespmem:s24+$0xFFFFFF80] =	vst v6  }
0x45: {  	s25 =	simm.s32 $0x0;
	s26 =	simm.s32 $0x18880;
	v5 =	vld.idx.msk [tilespmem:v14+s5+$0x0], $0xffff;
	[tilespmem:s24+$0x0] =	vst v7  }
.LBB2_3:
0x46: {  	v6 =	vld [tilespmem:s26+$0x70];
	s25 =	sadd.s32 $0x100, s25;
	[tilespmem:s24+$0x10] =	vst v3  }
0x47: {  	v3 =	vld [tilespmem:s26+$0xFFFFFF90];
	p1 =	slt.u32 s25, $0xF00;
	[tilespmem:s24+$0x20] =	vst v4  }
0x48: {  	v4 =	vld [tilespmem:s26+$0xFFFFFFA0];
	[tilespmem:s24+$0x30] =	vst v0  }
0x49: {  	v0 =	vld [tilespmem:s26+$0xFFFFFFB0];
	[tilespmem:s24+$0x40] =	vst v1  }
0x4a: {  	v1 =	vld [tilespmem:s26+$0xFFFFFFC0];
	[tilespmem:s24+$0x50] =	vst v2  }
0x4b: {  	v2 =	vld [tilespmem:s26+$0xFFFFFFD0];
	[tilespmem:s24+$0x60] =	vst v5  }
0x4c: {  	v5 =	vld [tilespmem:s26+$0xFFFFFFE0]  }
0x4d: {  	v7 =	vld [tilespmem:s26+$0xFFFFFFF0]  }
0x4e: {  	v6 =	vld.idx.msk [tilespmem:v6+s5+$0x0], $0xffff  }
0x4f: {  	v8 =	vld [tilespmem:s26+$0x0]  }
0x50: {  	v9 =	vld [tilespmem:s26+$0x10]  }
0x51: {  	v10 =	vld [tilespmem:s26+$0x20]  }
0x52: {  	v11 =	vld [tilespmem:s26+$0x30]  }
0x53: {  	s24 =	sadd.s32 $0x100, s24;
	v12 =	vld [tilespmem:s26+$0x40]  }
0x54: {  	v13 =	vld [tilespmem:s26+$0x50];
	[tilespmem:s24+$0x70] =	vst v6  }
0x55: {  	v6 =	vld [tilespmem:s26+$0x60]  }
0x56: {  	v14 =	vld [tilespmem:s26+$0xFFFFFF80]  }
0x57: {  	v3 =	vld.idx.msk [tilespmem:v3+s5+$0x0], $0xffff  }
0x58: {  	v4 =	vld.idx.msk [tilespmem:v4+s5+$0x0], $0xffff  }
0x59: {  	v0 =	vld.idx.msk [tilespmem:v0+s5+$0x0], $0xffff  }
0x5a: {  	v1 =	vld.idx.msk [tilespmem:v1+s5+$0x0], $0xffff  }
0x5b: {  	v2 =	vld.idx.msk [tilespmem:v2+s5+$0x0], $0xffff  }
0x5c: {  	v5 =	vld.idx.msk [tilespmem:v5+s5+$0x0], $0xffff  }
0x5d: {  	[tilespmem:s24+$0xFFFFFF90] =	vst v3;
	v7 =	vld.idx.msk [tilespmem:v7+s5+$0x0], $0xffff  }
0x5e: {  	v14 =	vld.idx.msk [tilespmem:v14+s5+$0x0], $0xffff;
	[tilespmem:s24+$0xFFFFFFA0] =	vst v4  }
0x5f: {  	[tilespmem:s24+$0xFFFFFFB0] =	vst v0;
	v8 =	vld.idx.msk [tilespmem:v8+s5+$0x0], $0xffff  }
0x60: {  	[tilespmem:s24+$0xFFFFFFC0] =	vst v1;
	v3 =	vld.idx.msk [tilespmem:v9+s5+$0x0], $0xffff  }
.Ltmp0:
0x61: {  	[tilespmem:s24+$0xFFFFFFD0] =	vst v2;
	v4 =	vld.idx.msk [tilespmem:v10+s5+$0x0], $0xffff;
	(pc) =	sbr.rel @p1 .LBB2_3-.Ltmp0, $4  }
0x62: {  	[tilespmem:s24+$0xFFFFFFE0] =	vst v5;
	v0 =	vld.idx.msk [tilespmem:v11+s5+$0x0], $0xffff  }
0x63: {  	[tilespmem:s24+$0xFFFFFFF0] =	vst v7;
	v1 =	vld.idx.msk [tilespmem:v12+s5+$0x0], $0xffff  }
0x64: {  	[tilespmem:s24+$0xFFFFFF80] =	vst v14;
	v2 =	vld.idx.msk [tilespmem:v13+s5+$0x0], $0xffff  }
0x65: {  	s26 =	sadd.s32 $0x100, s26;
	[tilespmem:s24+$0x0] =	vst v8;
	v5 =	vld.idx.msk [tilespmem:v6+s5+$0x0], $0xffff  }
0x66: {  	[tilespmem:s24+$0x10] =	vst v3  }
0x67: {  	[tilespmem:s24+$0x20] =	vst v4;
	s25 =	sshll.u32 s20, $0x13;
	s22 =	sshll.u32 s22, $0x11  }
0x68: {  	[tilespmem:s24+$0x30] =	vst v0;
	s22 =	sor.u32 s25, s22  }
0x69: {  	[tilespmem:s24+$0x40] =	vst v1;
	s22 =	sor.u32 s23, s22  }
0x6a: {  	[tilespmem:s24+$0x50] =	vst v2;
	s22 =	sshrl.u32 s22, $0x3  }
0x6b: {  	s23 =	simm.s32 @!p0 $0x3;
	[tilespmem:s24+$0x60] =	vst v5;
	s30 =	sadd.s32 s4, s22  }
0x6c: {  	[hbm4b:s30+s12] =	stream.strided.scatter [tilespmem:s15], [sflag:$0x2], $0x1000, s13, s12, $0x38;
	[tilespmem:$0x1E700] =	vst v63  }
0x6d: {  	_ =	swait.ge @!p0 [sflag:s23], $0x1000  }
0x6e: {  	[sflag:s23] =	ssyncset.done @!p0 $0x0  }
0x6f: {  	s31 =	simm.s32 $0x197F0;
	[sflag:s23] =	ssyncadd.s32 @!p0 $0xFFFFF000  }
0x70: {  	v0 =	vld [tilespmem:s31+$0x0]  }
0x71: {  	v1 =	vld [tilespmem:s31+$0xFFFFFF20]  }
0x72: {  	v2 =	vld [tilespmem:s31+$0xFFFFFF30]  }
0x73: {  	v3 =	vld [tilespmem:s31+$0xFFFFFF40]  }
0x74: {  	v4 =	vld [tilespmem:s31+$0xFFFFFF50]  }
0x75: {  	v5 =	vld [tilespmem:s31+$0xFFFFFF60]  }
0x76: {  	v6 =	vld [tilespmem:s31+$0xFFFFFF70]  }
0x77: {  	v7 =	vld [tilespmem:s31+$0xFFFFFF80]  }
0x78: {  	v8 =	vld [tilespmem:s31+$0xFFFFFF90]  }
0x79: {  	v9 =	vld [tilespmem:s31+$0xFFFFFFA0]  }
0x7a: {  	v10 =	vld [tilespmem:s31+$0xFFFFFFB0]  }
0x7b: {  	v11 =	vld [tilespmem:s31+$0xFFFFFFC0]  }
0x7c: {  	v12 =	vld [tilespmem:s31+$0xFFFFFFD0]  }
0x7d: {  	v13 =	vld [tilespmem:s31+$0xFFFFFFE0]  }
0x7e: {  	v14 =	vld [tilespmem:s31+$0xFFFFFFF0]  }
0x7f: {  	v15 =	vld [tilespmem:s31+$0xFFFFFF10]  }
0x80: {  	v0 =	vld.idx.msk [tilespmem:v0+s5+$0x0], $0xffff  }
0x81: {  	v1 =	vld.idx.msk [tilespmem:v1+s5+$0x0], $0xffff  }
0x82: {  	v2 =	vld.idx.msk [tilespmem:v2+s5+$0x0], $0xffff  }
0x83: {  	v3 =	vld.idx.msk [tilespmem:v3+s5+$0x0], $0xffff  }
0x84: {  	v4 =	vld.idx.msk [tilespmem:v4+s5+$0x0], $0xffff  }
0x85: {  	s23 =	simm.s32 $0x1D780;
	v5 =	vld.idx.msk [tilespmem:v5+s5+$0x0], $0xffff  }
0x86: {  	v6 =	vld.idx.msk [tilespmem:v6+s5+$0x0], $0xffff;
	[tilespmem:s23+$0x70] =	vst v0  }
0x87: {  	v7 =	vld.idx.msk [tilespmem:v7+s5+$0x0], $0xffff;
	[tilespmem:s23+$0xFFFFFF90] =	vst v1  }
0x88: {  	v15 =	vld.idx.msk [tilespmem:v15+s5+$0x0], $0xffff;
	[tilespmem:s23+$0xFFFFFFA0] =	vst v2  }
0x89: {  	v8 =	vld.idx.msk [tilespmem:v8+s5+$0x0], $0xffff;
	[tilespmem:s23+$0xFFFFFFB0] =	vst v3  }
0x8a: {  	[tilespmem:s23+$0xFFFFFFC0] =	vst v4;
	v0 =	vld.idx.msk [tilespmem:v9+s5+$0x0], $0xffff  }
0x8b: {  	[tilespmem:s23+$0xFFFFFFD0] =	vst v5;
	v1 =	vld.idx.msk [tilespmem:v10+s5+$0x0], $0xffff  }
0x8c: {  	[tilespmem:s23+$0xFFFFFFE0] =	vst v6;
	v2 =	vld.idx.msk [tilespmem:v11+s5+$0x0], $0xffff  }
0x8d: {  	[tilespmem:s23+$0xFFFFFFF0] =	vst v7;
	v3 =	vld.idx.msk [tilespmem:v12+s5+$0x0], $0xffff  }
0x8e: {  	[tilespmem:s23+$0xFFFFFF80] =	vst v15;
	v4 =	vld.idx.msk [tilespmem:v13+s5+$0x0], $0xffff  }
0x8f: {  	s25 =	simm.s32 $0x198F0;
	s24 =	simm.s32 $0x0;
	[tilespmem:s23+$0x0] =	vst v8;
	v5 =	vld.idx.msk [tilespmem:v14+s5+$0x0], $0xffff  }
.LBB2_5:
0x90: {  	v6 =	vld [tilespmem:s25+$0x0];
	s24 =	sadd.s32 $0x100, s24;
	[tilespmem:s23+$0x10] =	vst v0  }
0x91: {  	v0 =	vld [tilespmem:s25+$0xFFFFFF20];
	p0 =	slt.u32 s24, $0xF00;
	[tilespmem:s23+$0x20] =	vst v1  }
0x92: {  	v1 =	vld [tilespmem:s25+$0xFFFFFF30];
	[tilespmem:s23+$0x30] =	vst v2  }
0x93: {  	v2 =	vld [tilespmem:s25+$0xFFFFFF40];
	[tilespmem:s23+$0x40] =	vst v3  }
0x94: {  	v3 =	vld [tilespmem:s25+$0xFFFFFF50];
	[tilespmem:s23+$0x50] =	vst v4  }
0x95: {  	v4 =	vld [tilespmem:s25+$0xFFFFFF60];
	[tilespmem:s23+$0x60] =	vst v5  }
0x96: {  	v5 =	vld [tilespmem:s25+$0xFFFFFF70]  }
0x97: {  	v7 =	vld [tilespmem:s25+$0xFFFFFF80]  }
0x98: {  	v6 =	vld.idx.msk [tilespmem:v6+s5+$0x0], $0xffff  }
0x99: {  	v8 =	vld [tilespmem:s25+$0xFFFFFF90]  }
0x9a: {  	v9 =	vld [tilespmem:s25+$0xFFFFFFA0]  }
0x9b: {  	v10 =	vld [tilespmem:s25+$0xFFFFFFB0]  }
0x9c: {  	v11 =	vld [tilespmem:s25+$0xFFFFFFC0]  }
0x9d: {  	s23 =	sadd.s32 $0x100, s23;
	v12 =	vld [tilespmem:s25+$0xFFFFFFD0]  }
0x9e: {  	v13 =	vld [tilespmem:s25+$0xFFFFFFE0];
	[tilespmem:s23+$0x70] =	vst v6  }
0x9f: {  	v6 =	vld [tilespmem:s25+$0xFFFFFFF0]  }
0xa0: {  	v14 =	vld [tilespmem:s25+$0xFFFFFF10]  }
0xa1: {  	v0 =	vld.idx.msk [tilespmem:v0+s5+$0x0], $0xffff  }
0xa2: {  	v1 =	vld.idx.msk [tilespmem:v1+s5+$0x0], $0xffff  }
0xa3: {  	v2 =	vld.idx.msk [tilespmem:v2+s5+$0x0], $0xffff  }
0xa4: {  	v3 =	vld.idx.msk [tilespmem:v3+s5+$0x0], $0xffff  }
0xa5: {  	v4 =	vld.idx.msk [tilespmem:v4+s5+$0x0], $0xffff  }
0xa6: {  	v5 =	vld.idx.msk [tilespmem:v5+s5+$0x0], $0xffff  }
0xa7: {  	[tilespmem:s23+$0xFFFFFF90] =	vst v0;
	v7 =	vld.idx.msk [tilespmem:v7+s5+$0x0], $0xffff  }
0xa8: {  	v14 =	vld.idx.msk [tilespmem:v14+s5+$0x0], $0xffff;
	[tilespmem:s23+$0xFFFFFFA0] =	vst v1  }
0xa9: {  	[tilespmem:s23+$0xFFFFFFB0] =	vst v2;
	v8 =	vld.idx.msk [tilespmem:v8+s5+$0x0], $0xffff  }
0xaa: {  	[tilespmem:s23+$0xFFFFFFC0] =	vst v3;
	v0 =	vld.idx.msk [tilespmem:v9+s5+$0x0], $0xffff  }
.Ltmp1:
0xab: {  	[tilespmem:s23+$0xFFFFFFD0] =	vst v4;
	v1 =	vld.idx.msk [tilespmem:v10+s5+$0x0], $0xffff;
	(pc) =	sbr.rel @p0 .LBB2_5-.Ltmp1, $4  }
0xac: {  	[tilespmem:s23+$0xFFFFFFE0] =	vst v5;
	v2 =	vld.idx.msk [tilespmem:v11+s5+$0x0], $0xffff  }
0xad: {  	[tilespmem:s23+$0xFFFFFFF0] =	vst v7;
	v3 =	vld.idx.msk [tilespmem:v12+s5+$0x0], $0xffff  }
0xae: {  	[tilespmem:s23+$0xFFFFFF80] =	vst v14;
	v4 =	vld.idx.msk [tilespmem:v13+s5+$0x0], $0xffff  }
0xaf: {  	s25 =	sadd.s32 $0x100, s25;
	[tilespmem:s23+$0x0] =	vst v8;
	v5 =	vld.idx.msk [tilespmem:v6+s5+$0x0], $0xffff  }
0xb0: {  	[tilespmem:s23+$0x10] =	vst v0  }
0xb1: {  	[tilespmem:s23+$0x20] =	vst v1  }
0xb2: {  	[tilespmem:s23+$0x30] =	vst v2  }
0xb3: {  	[tilespmem:s23+$0x40] =	vst v3  }
0xb4: {  	[tilespmem:s23+$0x50] =	vst v4  }
0xb5: {  	s30 =	sadd.s32 s22, s8;
	[tilespmem:s23+$0x60] =	vst v5  }
0xb6: {  	[hbm4b:s30+s12] =	stream.strided.scatter [tilespmem:s16], [sflag:$0x3], $0x1000, s13, s12, $0x38;
	[tilespmem:$0x1E700] =	vst v63  }
0xb7: {  	_ =	swait.ge [sflag:s17], $0x1000  }
0xb8: {  	[sflag:s17] =	ssyncset.done $0x0  }
0xb9: {  	s31 =	simm.s32 $0x1A7F0;
	[sflag:s17] =	ssyncadd.s32 $0xFFFFF000  }
0xba: {  	v0 =	vld [tilespmem:s31+$0x0]  }
0xbb: {  	v1 =	vld [tilespmem:s31+$0xFFFFFF20]  }
0xbc: {  	v2 =	vld [tilespmem:s31+$0xFFFFFF30]  }
0xbd: {  	v3 =	vld [tilespmem:s31+$0xFFFFFF40]  }
0xbe: {  	v4 =	vld [tilespmem:s31+$0xFFFFFF50]  }
0xbf: {  	v5 =	vld [tilespmem:s31+$0xFFFFFF60]  }
0xc0: {  	v6 =	vld [tilespmem:s31+$0xFFFFFF70]  }
0xc1: {  	v7 =	vld [tilespmem:s31+$0xFFFFFF80]  }
0xc2: {  	v8 =	vld [tilespmem:s31+$0xFFFFFF90]  }
0xc3: {  	v9 =	vld [tilespmem:s31+$0xFFFFFFA0]  }
0xc4: {  	v10 =	vld [tilespmem:s31+$0xFFFFFFB0]  }
0xc5: {  	v11 =	vld [tilespmem:s31+$0xFFFFFFC0]  }
0xc6: {  	v12 =	vld [tilespmem:s31+$0xFFFFFFD0]  }
0xc7: {  	v13 =	vld [tilespmem:s31+$0xFFFFFFE0]  }
0xc8: {  	v14 =	vld [tilespmem:s31+$0xFFFFFFF0]  }
0xc9: {  	v15 =	vld [tilespmem:s31+$0xFFFFFF10]  }
0xca: {  	v0 =	vld.idx.msk [tilespmem:v0+s5+$0x0], $0xffff  }
0xcb: {  	v1 =	vld.idx.msk [tilespmem:v1+s5+$0x0], $0xffff  }
0xcc: {  	v2 =	vld.idx.msk [tilespmem:v2+s5+$0x0], $0xffff  }
0xcd: {  	v3 =	vld.idx.msk [tilespmem:v3+s5+$0x0], $0xffff  }
0xce: {  	v4 =	vld.idx.msk [tilespmem:v4+s5+$0x0], $0xffff  }
0xcf: {  	s23 =	simm.s32 $0x1C780;
	v5 =	vld.idx.msk [tilespmem:v5+s5+$0x0], $0xffff  }
0xd0: {  	v6 =	vld.idx.msk [tilespmem:v6+s5+$0x0], $0xffff;
	[tilespmem:s23+$0x70] =	vst v0  }
0xd1: {  	v7 =	vld.idx.msk [tilespmem:v7+s5+$0x0], $0xffff;
	[tilespmem:s23+$0xFFFFFF90] =	vst v1  }
0xd2: {  	v15 =	vld.idx.msk [tilespmem:v15+s5+$0x0], $0xffff;
	[tilespmem:s23+$0xFFFFFFA0] =	vst v2  }
0xd3: {  	v8 =	vld.idx.msk [tilespmem:v8+s5+$0x0], $0xffff;
	[tilespmem:s23+$0xFFFFFFB0] =	vst v3  }
0xd4: {  	[tilespmem:s23+$0xFFFFFFC0] =	vst v4;
	v0 =	vld.idx.msk [tilespmem:v9+s5+$0x0], $0xffff  }
0xd5: {  	[tilespmem:s23+$0xFFFFFFD0] =	vst v5;
	v1 =	vld.idx.msk [tilespmem:v10+s5+$0x0], $0xffff  }
0xd6: {  	[tilespmem:s23+$0xFFFFFFE0] =	vst v6;
	v2 =	vld.idx.msk [tilespmem:v11+s5+$0x0], $0xffff  }
0xd7: {  	[tilespmem:s23+$0xFFFFFFF0] =	vst v7;
	v3 =	vld.idx.msk [tilespmem:v12+s5+$0x0], $0xffff  }
0xd8: {  	[tilespmem:s23+$0xFFFFFF80] =	vst v15;
	v4 =	vld.idx.msk [tilespmem:v13+s5+$0x0], $0xffff  }
0xd9: {  	s24 =	simm.s32 $0x0;
	s25 =	simm.s32 $0x1A8F0;
	[tilespmem:s23+$0x0] =	vst v8;
	v5 =	vld.idx.msk [tilespmem:v14+s5+$0x0], $0xffff  }
.LBB2_7:
0xda: {  	v6 =	vld [tilespmem:s25+$0x0];
	s24 =	sadd.s32 $0x100, s24;
	[tilespmem:s23+$0x10] =	vst v0  }
0xdb: {  	v0 =	vld [tilespmem:s25+$0xFFFFFF20];
	p0 =	slt.u32 s24, $0xF00;
	[tilespmem:s23+$0x20] =	vst v1  }
0xdc: {  	v1 =	vld [tilespmem:s25+$0xFFFFFF30];
	[tilespmem:s23+$0x30] =	vst v2  }
0xdd: {  	v2 =	vld [tilespmem:s25+$0xFFFFFF40];
	[tilespmem:s23+$0x40] =	vst v3  }
0xde: {  	v3 =	vld [tilespmem:s25+$0xFFFFFF50];
	[tilespmem:s23+$0x50] =	vst v4  }
0xdf: {  	v4 =	vld [tilespmem:s25+$0xFFFFFF60];
	[tilespmem:s23+$0x60] =	vst v5  }
0xe0: {  	v5 =	vld [tilespmem:s25+$0xFFFFFF70]  }
0xe1: {  	v7 =	vld [tilespmem:s25+$0xFFFFFF80]  }
0xe2: {  	v6 =	vld.idx.msk [tilespmem:v6+s5+$0x0], $0xffff  }
0xe3: {  	v8 =	vld [tilespmem:s25+$0xFFFFFF90]  }
0xe4: {  	v9 =	vld [tilespmem:s25+$0xFFFFFFA0]  }
0xe5: {  	v10 =	vld [tilespmem:s25+$0xFFFFFFB0]  }
0xe6: {  	v11 =	vld [tilespmem:s25+$0xFFFFFFC0]  }
0xe7: {  	s23 =	sadd.s32 $0x100, s23;
	v12 =	vld [tilespmem:s25+$0xFFFFFFD0]  }
0xe8: {  	v13 =	vld [tilespmem:s25+$0xFFFFFFE0];
	[tilespmem:s23+$0x70] =	vst v6  }
0xe9: {  	v6 =	vld [tilespmem:s25+$0xFFFFFFF0]  }
0xea: {  	v14 =	vld [tilespmem:s25+$0xFFFFFF10]  }
0xeb: {  	v0 =	vld.idx.msk [tilespmem:v0+s5+$0x0], $0xffff  }
0xec: {  	v1 =	vld.idx.msk [tilespmem:v1+s5+$0x0], $0xffff  }
0xed: {  	v2 =	vld.idx.msk [tilespmem:v2+s5+$0x0], $0xffff  }
0xee: {  	v3 =	vld.idx.msk [tilespmem:v3+s5+$0x0], $0xffff  }
0xef: {  	v4 =	vld.idx.msk [tilespmem:v4+s5+$0x0], $0xffff  }
0xf0: {  	v5 =	vld.idx.msk [tilespmem:v5+s5+$0x0], $0xffff  }
0xf1: {  	[tilespmem:s23+$0xFFFFFF90] =	vst v0;
	v7 =	vld.idx.msk [tilespmem:v7+s5+$0x0], $0xffff  }
0xf2: {  	v14 =	vld.idx.msk [tilespmem:v14+s5+$0x0], $0xffff;
	[tilespmem:s23+$0xFFFFFFA0] =	vst v1  }
0xf3: {  	[tilespmem:s23+$0xFFFFFFB0] =	vst v2;
	v8 =	vld.idx.msk [tilespmem:v8+s5+$0x0], $0xffff  }
0xf4: {  	[tilespmem:s23+$0xFFFFFFC0] =	vst v3;
	v0 =	vld.idx.msk [tilespmem:v9+s5+$0x0], $0xffff  }
.Ltmp2:
0xf5: {  	[tilespmem:s23+$0xFFFFFFD0] =	vst v4;
	v1 =	vld.idx.msk [tilespmem:v10+s5+$0x0], $0xffff;
	(pc) =	sbr.rel @p0 .LBB2_7-.Ltmp2, $4  }
0xf6: {  	[tilespmem:s23+$0xFFFFFFE0] =	vst v5;
	v2 =	vld.idx.msk [tilespmem:v11+s5+$0x0], $0xffff  }
0xf7: {  	[tilespmem:s23+$0xFFFFFFF0] =	vst v7;
	v3 =	vld.idx.msk [tilespmem:v12+s5+$0x0], $0xffff  }
0xf8: {  	[tilespmem:s23+$0xFFFFFF80] =	vst v14;
	v4 =	vld.idx.msk [tilespmem:v13+s5+$0x0], $0xffff  }
0xf9: {  	s25 =	sadd.s32 $0x100, s25;
	[tilespmem:s23+$0x0] =	vst v8;
	v5 =	vld.idx.msk [tilespmem:v6+s5+$0x0], $0xffff  }
0xfa: {  	[tilespmem:s23+$0x10] =	vst v0  }
0xfb: {  	[tilespmem:s23+$0x20] =	vst v1  }
0xfc: {  	[tilespmem:s23+$0x30] =	vst v2  }
0xfd: {  	[tilespmem:s23+$0x40] =	vst v3  }
0xfe: {  	[tilespmem:s23+$0x50] =	vst v4  }
0xff: {  	s30 =	sadd.s32 s22, s9;
	[tilespmem:s23+$0x60] =	vst v5  }
0x100: {  	[hbm4b:s30+s12] =	stream.strided.scatter [tilespmem:s15], [sflag:$0x2], $0x1000, s13, s12, $0x38;
	[tilespmem:$0x1E700] =	vst v63  }
0x101: {  	_ =	swait.ge [sflag:s18], $0x1000  }
0x102: {  	[sflag:s18] =	ssyncset.done $0x0  }
0x103: {  	s31 =	simm.s32 $0x1B7F0;
	[sflag:s18] =	ssyncadd.s32 $0xFFFFF000  }
0x104: {  	v0 =	vld [tilespmem:s31+$0x0]  }
0x105: {  	v1 =	vld [tilespmem:s31+$0xFFFFFF20]  }
0x106: {  	v2 =	vld [tilespmem:s31+$0xFFFFFF30]  }
0x107: {  	v3 =	vld [tilespmem:s31+$0xFFFFFF40]  }
0x108: {  	v4 =	vld [tilespmem:s31+$0xFFFFFF50]  }
0x109: {  	v5 =	vld [tilespmem:s31+$0xFFFFFF60]  }
0x10a: {  	v6 =	vld [tilespmem:s31+$0xFFFFFF70]  }
0x10b: {  	v7 =	vld [tilespmem:s31+$0xFFFFFF80]  }
0x10c: {  	v8 =	vld [tilespmem:s31+$0xFFFFFF90]  }
0x10d: {  	v9 =	vld [tilespmem:s31+$0xFFFFFFA0]  }
0x10e: {  	v10 =	vld [tilespmem:s31+$0xFFFFFFB0]  }
0x10f: {  	v11 =	vld [tilespmem:s31+$0xFFFFFFC0]  }
0x110: {  	v12 =	vld [tilespmem:s31+$0xFFFFFFD0]  }
0x111: {  	v13 =	vld [tilespmem:s31+$0xFFFFFFE0]  }
0x112: {  	v14 =	vld [tilespmem:s31+$0xFFFFFFF0]  }
0x113: {  	v15 =	vld [tilespmem:s31+$0xFFFFFF10]  }
0x114: {  	v0 =	vld.idx.msk [tilespmem:v0+s5+$0x0], $0xffff  }
0x115: {  	v1 =	vld.idx.msk [tilespmem:v1+s5+$0x0], $0xffff  }
0x116: {  	v2 =	vld.idx.msk [tilespmem:v2+s5+$0x0], $0xffff  }
0x117: {  	v3 =	vld.idx.msk [tilespmem:v3+s5+$0x0], $0xffff  }
0x118: {  	v4 =	vld.idx.msk [tilespmem:v4+s5+$0x0], $0xffff  }
0x119: {  	s23 =	simm.s32 $0x1D780;
	v5 =	vld.idx.msk [tilespmem:v5+s5+$0x0], $0xffff  }
0x11a: {  	v6 =	vld.idx.msk [tilespmem:v6+s5+$0x0], $0xffff;
	[tilespmem:s23+$0x70] =	vst v0  }
0x11b: {  	v7 =	vld.idx.msk [tilespmem:v7+s5+$0x0], $0xffff;
	[tilespmem:s23+$0xFFFFFF90] =	vst v1  }
0x11c: {  	v15 =	vld.idx.msk [tilespmem:v15+s5+$0x0], $0xffff;
	[tilespmem:s23+$0xFFFFFFA0] =	vst v2  }
0x11d: {  	v8 =	vld.idx.msk [tilespmem:v8+s5+$0x0], $0xffff;
	[tilespmem:s23+$0xFFFFFFB0] =	vst v3  }
0x11e: {  	[tilespmem:s23+$0xFFFFFFC0] =	vst v4;
	v0 =	vld.idx.msk [tilespmem:v9+s5+$0x0], $0xffff  }
0x11f: {  	[tilespmem:s23+$0xFFFFFFD0] =	vst v5;
	v1 =	vld.idx.msk [tilespmem:v10+s5+$0x0], $0xffff  }
0x120: {  	[tilespmem:s23+$0xFFFFFFE0] =	vst v6;
	v2 =	vld.idx.msk [tilespmem:v11+s5+$0x0], $0xffff  }
0x121: {  	[tilespmem:s23+$0xFFFFFFF0] =	vst v7;
	v3 =	vld.idx.msk [tilespmem:v12+s5+$0x0], $0xffff  }
0x122: {  	[tilespmem:s23+$0xFFFFFF80] =	vst v15;
	v4 =	vld.idx.msk [tilespmem:v13+s5+$0x0], $0xffff  }
0x123: {  	s24 =	simm.s32 $0x0;
	s25 =	simm.s32 $0x1B8F0;
	[tilespmem:s23+$0x0] =	vst v8;
	v5 =	vld.idx.msk [tilespmem:v14+s5+$0x0], $0xffff  }
.LBB2_9:
0x124: {  	v6 =	vld [tilespmem:s25+$0x0];
	s24 =	sadd.s32 $0x100, s24;
	[tilespmem:s23+$0x10] =	vst v0  }
0x125: {  	v0 =	vld [tilespmem:s25+$0xFFFFFF20];
	p0 =	slt.u32 s24, $0xF00;
	[tilespmem:s23+$0x20] =	vst v1  }
0x126: {  	v1 =	vld [tilespmem:s25+$0xFFFFFF30];
	[tilespmem:s23+$0x30] =	vst v2  }
0x127: {  	v2 =	vld [tilespmem:s25+$0xFFFFFF40];
	[tilespmem:s23+$0x40] =	vst v3  }
0x128: {  	v3 =	vld [tilespmem:s25+$0xFFFFFF50];
	[tilespmem:s23+$0x50] =	vst v4  }
0x129: {  	v4 =	vld [tilespmem:s25+$0xFFFFFF60];
	[tilespmem:s23+$0x60] =	vst v5  }
0x12a: {  	v5 =	vld [tilespmem:s25+$0xFFFFFF70]  }
0x12b: {  	v7 =	vld [tilespmem:s25+$0xFFFFFF80]  }
0x12c: {  	v6 =	vld.idx.msk [tilespmem:v6+s5+$0x0], $0xffff  }
0x12d: {  	v8 =	vld [tilespmem:s25+$0xFFFFFF90]  }
0x12e: {  	v9 =	vld [tilespmem:s25+$0xFFFFFFA0]  }
0x12f: {  	v10 =	vld [tilespmem:s25+$0xFFFFFFB0]  }
0x130: {  	v11 =	vld [tilespmem:s25+$0xFFFFFFC0]  }
0x131: {  	s23 =	sadd.s32 $0x100, s23;
	v12 =	vld [tilespmem:s25+$0xFFFFFFD0]  }
0x132: {  	v13 =	vld [tilespmem:s25+$0xFFFFFFE0];
	[tilespmem:s23+$0x70] =	vst v6  }
0x133: {  	v6 =	vld [tilespmem:s25+$0xFFFFFFF0]  }
0x134: {  	v14 =	vld [tilespmem:s25+$0xFFFFFF10]  }
0x135: {  	v0 =	vld.idx.msk [tilespmem:v0+s5+$0x0], $0xffff  }
0x136: {  	v1 =	vld.idx.msk [tilespmem:v1+s5+$0x0], $0xffff  }
0x137: {  	v2 =	vld.idx.msk [tilespmem:v2+s5+$0x0], $0xffff  }
0x138: {  	v3 =	vld.idx.msk [tilespmem:v3+s5+$0x0], $0xffff  }
0x139: {  	v4 =	vld.idx.msk [tilespmem:v4+s5+$0x0], $0xffff  }
0x13a: {  	v5 =	vld.idx.msk [tilespmem:v5+s5+$0x0], $0xffff  }
0x13b: {  	[tilespmem:s23+$0xFFFFFF90] =	vst v0;
	v7 =	vld.idx.msk [tilespmem:v7+s5+$0x0], $0xffff  }
0x13c: {  	v14 =	vld.idx.msk [tilespmem:v14+s5+$0x0], $0xffff;
	[tilespmem:s23+$0xFFFFFFA0] =	vst v1  }
0x13d: {  	[tilespmem:s23+$0xFFFFFFB0] =	vst v2;
	v8 =	vld.idx.msk [tilespmem:v8+s5+$0x0], $0xffff  }
0x13e: {  	[tilespmem:s23+$0xFFFFFFC0] =	vst v3;
	v0 =	vld.idx.msk [tilespmem:v9+s5+$0x0], $0xffff  }
.Ltmp3:
0x13f: {  	[tilespmem:s23+$0xFFFFFFD0] =	vst v4;
	v1 =	vld.idx.msk [tilespmem:v10+s5+$0x0], $0xffff;
	(pc) =	sbr.rel @p0 .LBB2_9-.Ltmp3, $4  }
0x140: {  	[tilespmem:s23+$0xFFFFFFE0] =	vst v5;
	v2 =	vld.idx.msk [tilespmem:v11+s5+$0x0], $0xffff  }
0x141: {  	[tilespmem:s23+$0xFFFFFFF0] =	vst v7;
	v3 =	vld.idx.msk [tilespmem:v12+s5+$0x0], $0xffff  }
0x142: {  	[tilespmem:s23+$0xFFFFFF80] =	vst v14;
	v4 =	vld.idx.msk [tilespmem:v13+s5+$0x0], $0xffff  }
0x143: {  	s25 =	sadd.s32 $0x100, s25;
	[tilespmem:s23+$0x0] =	vst v8;
	v5 =	vld.idx.msk [tilespmem:v6+s5+$0x0], $0xffff  }
0x144: {  	[tilespmem:s23+$0x10] =	vst v0;
	s21 =	sadd.s32 $0x1, s21  }
0x145: {  	[tilespmem:s23+$0x20] =	vst v1;
	p0 =	slt.u32 s21, s7  }
.Ltmp4:
0x146: {  	[tilespmem:s23+$0x30] =	vst v2;
	(pc) =	sbr.rel @p0 .LBB2_2-.Ltmp4, $4  }
0x147: {  	[tilespmem:s23+$0x40] =	vst v3  }
0x148: {  	[tilespmem:s23+$0x50] =	vst v4  }
0x149: {  	s22 =	sadd.s32 s22, s10;
	[tilespmem:s23+$0x60] =	vst v5  }
0x14a: {  	[hbm4b:s22+s12] =	stream.strided.scatter [tilespmem:s16], [sflag:$0x3], $0x1000, s13, s12, $0x38;
	[tilespmem:$0x1E700] =	vst v63  }
0x14b: {  	s19 =	sadd.s32 $0x1, s19  }
0x14c: {  	_ =	swait.ge [sflag:s17], $0x1000;
	p0 =	sne.s32 s19, s11  }
.Ltmp5:
0x14d: {  	[sflag:s17] =	ssyncset.done $0x0;
	(pc) =	sbr.rel @p0 .LBB2_1-.Ltmp5, $4  }
0x14e: {  	[sflag:s17] =	ssyncadd.s32 $0xFFFFF000  }
0x14f: {  	_ =	swait.ge [sflag:s18], $0x1000  }
0x150: {  	[sflag:s18] =	ssyncset.done $0x0  }
0x151: {  	[sflag:s18] =	ssyncadd.s32 $0xFFFFF000  }
0x152: {  	_ =	sfence.sel $0x180000  }
0x153: {  	[bflag:$0x0] =	sbarrier.arrive $0xFFFF  }
0x154: {  	p0 =	sne.s32 s0, $0x0;
	_ =	strace $0x90000047  }
0x155: {  	s0 =	sadd.s32 @!p0 $0x100000, s2;
	[bflag:$0x2] =	sbarrier.arrive $0xFFFF  }
0x156: {  	[sflag:s0] =	ssyncadd.tile.s32 @!p0 $0x1;
	_ =	shalt  }
.Lfunc_end2:
_tile_overlayer_lowered:
.L_overlay_start_2:
0x157: {  	(tag) =	ssettag $0x2  }
0x158: {  	s0 =	rddreg [dreg:$0x0];
	s2 =	stileid.u32  }
0x159: {  	s1 =	rddreg [dreg:$0x1];
	p0 =	sne.s32 s2, $0x0  }
0x15a: {  	s3 =	rddreg [dreg:$0x2];
	[bflag:$0x3] =	sbarrier.arrive $0xFFFF;
	s2 =	simm.s32 @!p0 $0x1C04  }
0x15b: {  	[timem:s3], [sflag:s2] =	dma.local @!p0 [hbm:s0], s1  }
0x15c: {  	s0 =	simm.s32 @!p0 $0x4  }
0x15d: {  	_ =	swait.ge @!p0 [sflag:s0], s1  }
0x15e: {  	s1 =	ssub.s32 @!p0 $0x0, s1;
	[sflag:s0] =	ssyncset.done @!p0 $0x0  }
0x15f: {  	[sflag:s0] =	ssyncadd.s32 @!p0 s1  }
0x160: {  	[bflag:$0x3] =	sbarrier.arrive $0xFFFF  }
0x161: {  	_ =	shalt  }

</sc_bundles>
